<compile_context>
chip_gen: v7x
topology: tpu7x:2x2x1
jax: 0.10.2.dev20260603
libtpu: 0.0.44.dev20260713+nightly
codegen_flags: <defaults>
</compile_context>

<pallas_src>
import dataclasses
import functools

import jax
import jax.numpy as jnp
from jax import lax
from jax.experimental import pallas as pl
from jax.experimental.pallas import tpu as pltpu
from jax.experimental.pallas import tpu_sc as plsc

NSUB = 16
NCORE = 2
LANES = 16
CHUNK = 128


def _mm1_body(x_ref, w_ref, o_ref):
    o_ref[0] = jnp.dot(x_ref[...], w_ref[...],
                       preferred_element_type=jnp.float32)


def _mm1(x, w):
    n, d = x.shape
    h = d // 2
    r = _pick_block(n)
    return pl.pallas_call(
        _mm1_body,
        grid=(n // r, 2),
        in_specs=[
            pl.BlockSpec((r, d), lambda i, c: (i, 0)),
            pl.BlockSpec((d, h), lambda i, c: (0, c)),
        ],
        out_specs=pl.BlockSpec((1, r, h), lambda i, c: (c, i, 0)),
        out_shape=jax.ShapeDtypeStruct((2, n, h), jnp.float32),
    )(x, w)


def _mm2_body(a_ref, w_ref, o_ref):
    k = pl.program_id(2)
    xb = jnp.maximum(a_ref[0], 0.0)
    p = jnp.dot(xb, w_ref[...], preferred_element_type=jnp.float32)

    @pl.when(k == 0)
    def _():
        o_ref[0] = p

    @pl.when(k == 1)
    def _():
        o_ref[0] = o_ref[0] + p


def _pick_block(n):
    return next(r for r in (2000, 2048, 1280, 1000, 800, 640, 512, 400,
                            320, 256, 128, 16, 8) if n % r == 0)


def _mm2(a, w):
    _, n, h = a.shape
    r = _pick_block(n)
    return pl.pallas_call(
        _mm2_body,
        grid=(n // r, 2, 2),
        in_specs=[
            pl.BlockSpec((1, r, h), lambda i, c, k: (k, i, 0)),
            pl.BlockSpec((h, h), lambda i, c, k: (k, c)),
        ],
        out_specs=pl.BlockSpec((1, r, h), lambda i, c, k: (c, i, 0)),
        out_shape=jax.ShapeDtypeStruct((2, n, h), jnp.float32),
    )(a, w)


GBATCH = 16


def _sc_prop(hsplit, src_t, dst_t, attr_t, n_pad):
    _, _, hdim = hsplit.shape
    nb = src_t.shape[1]
    rows_pt = n_pad // NSUB
    assert rows_pt % CHUNK == 0
    nvec = hdim // LANES

    mesh = plsc.VectorSubcoreMesh(core_axis_name="c", subcore_axis_name="s")
    cp = pltpu.CompilerParams()
    if "needs_layout_passes" in pltpu.CompilerParams.__dataclass_fields__:
        cp = dataclasses.replace(cp, needs_layout_passes=False)

    @functools.partial(
        pl.kernel,
        out_type=jax.ShapeDtypeStruct((NCORE, n_pad, hdim), jnp.float32),
        mesh=mesh,
        compiler_params=cp,
        scratch_types=[
            pltpu.VMEM((GBATCH, CHUNK), jnp.int32),
            pltpu.VMEM((GBATCH, CHUNK), jnp.int32),
            pltpu.VMEM((GBATCH, CHUNK), jnp.float32),
            pltpu.VMEM((CHUNK, hdim), jnp.float32),
            pltpu.VMEM_SHARED((n_pad, hdim), jnp.float32),
        ],
    )
    def k(h_hbm, src_hbm, dst_hbm, attr_hbm, out_hbm,
          src_v, dst_v, attr_v, row_v, acc):
        c = lax.axis_index("c")
        s = lax.axis_index("s")

        zv = jnp.zeros((LANES,), jnp.float32)

        @pl.loop(0, CHUNK)
        def _(rr):
            for t in range(nvec):
                row_v[rr, pl.ds(t * LANES, LANES)] = zv

        for t in range(rows_pt // CHUNK):
            pltpu.sync_copy(row_v, acc.at[pl.ds(s * rows_pt + t * CHUNK,
                                                CHUNK)])
        plsc.subcore_barrier()

        @pl.loop(0, nb)
        def _(b):
            pltpu.sync_copy(src_hbm.at[s].at[b], src_v)
            pltpu.sync_copy(dst_hbm.at[s].at[b], dst_v)
            pltpu.sync_copy(attr_hbm.at[s].at[b], attr_v)

            @pl.loop(0, GBATCH)
            def _(j):
                pltpu.sync_copy(h_hbm.at[c].at[src_v.at[j]], row_v)

                @pl.loop(0, CHUNK)
                def _(e):
                    av = plsc.load_gather(
                        attr_v,
                        [jnp.full((LANES,), j, jnp.int32),
                         jnp.full((LANES,), e, jnp.int32)])
                    for t in range(nvec):
                        sl = pl.ds(t * LANES, LANES)
                        row_v[e, sl] = row_v[e, sl] * av

                pltpu.sync_copy(row_v, acc.at[dst_v.at[j]], add=True)

        plsc.subcore_barrier()
        pltpu.sync_copy(acc.at[pl.ds(s * rows_pt, rows_pt)],
                        out_hbm.at[c].at[pl.ds(s * rows_pt, rows_pt)])

    return k(hsplit, src_t, dst_t, attr_t)


def kernel(x, edge_index, edge_attr, batch, W1, W2):
    n, d = x.shape
    e = edge_attr.shape[0]

    src = edge_index[0].astype(jnp.int32)
    dst = edge_index[1].astype(jnp.int32)
    attr = edge_attr.astype(jnp.float32)

    grp = NSUB * GBATCH * CHUNK
    ep = ((e + grp - 1) // grp) * grp
    pad = ep - e
    nb = ep // grp
    shape = (NSUB, nb, GBATCH, CHUNK)
    src_t = jnp.pad(src, (0, pad)).reshape(shape)
    dst_t = jnp.pad(dst, (0, pad)).reshape(shape)
    attr_t = jnp.pad(attr, (0, pad)).reshape(shape)

    rows_pt = ((n + NSUB * CHUNK - 1) // (NSUB * CHUNK)) * CHUNK
    n_pad = rows_pt * NSUB

    h1 = _mm1(x, W1)
    a1 = _sc_prop(h1, src_t, dst_t, attr_t, n_pad)
    h2 = _mm2(a1, W2)
    out2 = _sc_prop(h2, src_t, dst_t, attr_t, n_pad)

    out2 = out2[:, :n, :]
    return jnp.transpose(out2, (1, 0, 2)).reshape(out2.shape[1], d)

# --- scband reference (transcript-rebuilt; emitter-appended) ---
"""Pipeline reference for scband-di-gcn-26465588478352 (READ-ONLY COPY).

The authoritative reference and input builder live on the scoring server;
editing this copy changes nothing except your own understanding.
"""

import jax, jax.numpy as jnp
import numpy as np

N = 10000
E = 160000
D = 256

def setup_inputs(seed: int = 0) -> dict:
    key = jax.random.key(seed)
    k1, k2, k3, k4, k5 = jax.random.split(key, 5)
    x = jax.random.normal(k1, (N, D), dtype=jnp.float32)
    edge_index = jax.random.randint(k2, (2, E), 0, N, dtype=jnp.int64)
    edge_attr = jax.random.uniform(k3, (E,), dtype=jnp.float32)
    batch = jnp.zeros((N,), dtype=jnp.int64)
    # glorot-style init for DIGCNConv weights (bias=False)
    scale = np.sqrt(6.0 / (D + D)).astype(np.float32)
    W1 = jax.random.uniform(k4, (D, D), dtype=jnp.float32, minval=-scale, maxval=scale)
    W2 = jax.random.uniform(k5, (D, D), dtype=jnp.float32, minval=-scale, maxval=scale)
    return {"x": x, "edge_index": edge_index, "edge_attr": edge_attr, "batch": batch, "W1": W1, "W2": W2}

def _digcn_conv(x, edge_index, edge_attr, W):
    # DIGCNConv: x @ W, then message = edge_weight * x_j, scatter-add at dst
    h = x @ W
    src = edge_index[0]
    dst = edge_index[1]
    msg = edge_attr[:, None] * jnp.take(h, src, axis=0)
    out = jnp.zeros_like(h).at[dst].add(msg)
    return out

def reference(x, edge_index, edge_attr, batch, W1, W2):
    h = jax.nn.relu(_digcn_conv(x, edge_index, edge_attr, W1))
    # dropout p=0.0 -> identity
    out = _digcn_conv(h, edge_index, edge_attr, W2)
    # num_graphs = 1, batch is all zeros -> emb_list = [out[batch == 0]] == [out]
    return out

if __name__ == "__main__":
    import jax
    _d = setup_inputs()
    print(jax.jit(kernel)(*tuple(_d.values())))

</pallas_src>

<mosaic_0001>
#map = affine_map<(d0, d1) -> (0, 0, 0)>
#map1 = affine_map<(d0, d1) -> (0, 0, 0, 0)>
module attributes {stable_mosaic.version = 14 : i64} {
  func.func @k(%arg0: i32, %arg1: i32, %arg2: memref<2x10000x128xf32, #tpu.memory_space<hbm>>, %arg3: memref<16x5x16x128xi32, #tpu.memory_space<hbm>>, %arg4: memref<16x5x16x128xi32, #tpu.memory_space<hbm>>, %arg5: memref<16x5x16x128xf32, #tpu.memory_space<hbm>>, %arg6: memref<2x10240x128xf32, #tpu.memory_space<hbm>>, %arg7: memref<16x128xi32, #tpu.memory_space<vmem>>, %arg8: memref<16x128xi32, #tpu.memory_space<vmem>>, %arg9: memref<16x128xf32, #tpu.memory_space<vmem>>, %arg10: memref<128x128xf32, #tpu.memory_space<vmem>>, %arg11: memref<10240x128xf32, #tpu.memory_space<vmem_shared>>) attributes {dimension_semantics = [#tpu.dimension_semantics<core_parallel>, #tpu.dimension_semantics<subcore_parallel>], iteration_bounds = array<i64: 2, 16>, scalar_prefetch = 0 : i64, scratch_operands = 5 : i64, tpu.core_type = #tpu.core_type<sc_vector_subcore>, window_params = [{transform_indices = #map}, {transform_indices = #map1}, {transform_indices = #map1}, {transform_indices = #map1}, {transform_indices = #map}]} {
    %broadcast_in_dim3A = arith.constant 0.000000e+00 : f32
    %broadcast_in_dim3A_0 = vector.broadcast %broadcast_in_dim3A : f32 to vector<16xf32>
    %scan3A = arith.constant 0 : i32
    %scan3A_1 = arith.constant 128 : i32
    %scan3A_2 = arith.addi %scan3A, %scan3A_1 : i32
    %scan3A_3 = arith.constant 1 : i32
    scf.for %scan3A_33 = %scan3A to %scan3A_2 step %scan3A_3  : i32 {
      %mul3A_34 = arith.constant 1 : i32
      %mul3A_35 = arith.muli %scan3A_33, %mul3A_34 : i32
      %add3A_36 = arith.constant 0 : i32
      %add3A_37 = arith.addi %add3A_36, %mul3A_35 : i32
      %swap3A = arith.index_cast %add3A_37 : i32 to index
      %swap3A_38 = arith.constant 0 : index
      %swap3A_39 = tpu.vector_load %arg10[%swap3A, %swap3A_38] {strides = array<i32>} : memref<128x128xf32, #tpu.memory_space<vmem>>, vector<16xf32>,
      tpu.vector_store %arg10[%swap3A, %swap3A_38], %broadcast_in_dim3A_0 {strides = array<i32>} : memref<128x128xf32, #tpu.memory_space<vmem>>, vector<16xf32>,
      %swap3A_40 = arith.index_cast %add3A_37 : i32 to index
      %swap3A_41 = arith.constant 16 : index
      %swap3A_42 = tpu.vector_load %arg10[%swap3A_40, %swap3A_41] {strides = array<i32>} : memref<128x128xf32, #tpu.memory_space<vmem>>, vector<16xf32>,
      tpu.vector_store %arg10[%swap3A_40, %swap3A_41], %broadcast_in_dim3A_0 {strides = array<i32>} : memref<128x128xf32, #tpu.memory_space<vmem>>, vector<16xf32>,
      %swap3A_43 = arith.index_cast %add3A_37 : i32 to index
      %swap3A_44 = arith.constant 32 : index
      %swap3A_45 = tpu.vector_load %arg10[%swap3A_43, %swap3A_44] {strides = array<i32>} : memref<128x128xf32, #tpu.memory_space<vmem>>, vector<16xf32>,
      tpu.vector_store %arg10[%swap3A_43, %swap3A_44], %broadcast_in_dim3A_0 {strides = array<i32>} : memref<128x128xf32, #tpu.memory_space<vmem>>, vector<16xf32>,
      %swap3A_46 = arith.index_cast %add3A_37 : i32 to index
      %swap3A_47 = arith.constant 48 : index
      %swap3A_48 = tpu.vector_load %arg10[%swap3A_46, %swap3A_47] {strides = array<i32>} : memref<128x128xf32, #tpu.memory_space<vmem>>, vector<16xf32>,
      tpu.vector_store %arg10[%swap3A_46, %swap3A_47], %broadcast_in_dim3A_0 {strides = array<i32>} : memref<128x128xf32, #tpu.memory_space<vmem>>, vector<16xf32>,
      %swap3A_49 = arith.index_cast %add3A_37 : i32 to index
      %swap3A_50 = arith.constant 64 : index
      %swap3A_51 = tpu.vector_load %arg10[%swap3A_49, %swap3A_50] {strides = array<i32>} : memref<128x128xf32, #tpu.memory_space<vmem>>, vector<16xf32>,
      tpu.vector_store %arg10[%swap3A_49, %swap3A_50], %broadcast_in_dim3A_0 {strides = array<i32>} : memref<128x128xf32, #tpu.memory_space<vmem>>, vector<16xf32>,
      %swap3A_52 = arith.index_cast %add3A_37 : i32 to index
      %swap3A_53 = arith.constant 80 : index
      %swap3A_54 = tpu.vector_load %arg10[%swap3A_52, %swap3A_53] {strides = array<i32>} : memref<128x128xf32, #tpu.memory_space<vmem>>, vector<16xf32>,
      tpu.vector_store %arg10[%swap3A_52, %swap3A_53], %broadcast_in_dim3A_0 {strides = array<i32>} : memref<128x128xf32, #tpu.memory_space<vmem>>, vector<16xf32>,
      %swap3A_55 = arith.index_cast %add3A_37 : i32 to index
      %swap3A_56 = arith.constant 96 : index
      %swap3A_57 = tpu.vector_load %arg10[%swap3A_55, %swap3A_56] {strides = array<i32>} : memref<128x128xf32, #tpu.memory_space<vmem>>, vector<16xf32>,
      tpu.vector_store %arg10[%swap3A_55, %swap3A_56], %broadcast_in_dim3A_0 {strides = array<i32>} : memref<128x128xf32, #tpu.memory_space<vmem>>, vector<16xf32>,
      %swap3A_58 = arith.index_cast %add3A_37 : i32 to index
      %swap3A_59 = arith.constant 112 : index
      %swap3A_60 = tpu.vector_load %arg10[%swap3A_58, %swap3A_59] {strides = array<i32>} : memref<128x128xf32, #tpu.memory_space<vmem>>, vector<16xf32>,
      tpu.vector_store %arg10[%swap3A_58, %swap3A_59], %broadcast_in_dim3A_0 {strides = array<i32>} : memref<128x128xf32, #tpu.memory_space<vmem>>, vector<16xf32>,
    }
    %scan3A_4 = arith.constant 128 : i32
    %mul3A = arith.constant 640 : i32
    %mul3A_5 = arith.muli %arg1, %mul3A : i32
    %add3A = arith.constant 0 : i32
    %add3A_6 = arith.addi %mul3A_5, %add3A : i32
    "tpu.region"() ({
      %run_scoped3A = tpu.sem_alloc : memref<!tpu.dma_semaphore, #tpu.memory_space<semaphore_mem>>
      %dma_start3A = arith.constant 0 : i32
      %dma_start3A_33 = tpu.memref_slice %arg11[%add3A_6, %dma_start3A] : memref<10240x128xf32, #tpu.memory_space<vmem_shared>> -> memref<128x128xf32, #tpu.memory_space<vmem_shared>>
      %dma_start3A_34 = arith.constant 0 : i32
      %dma_start3A_35 = tpu.memref_slice %arg11[%add3A_6, %dma_start3A_34] : memref<10240x128xf32, #tpu.memory_space<vmem_shared>> -> memref<128x128xf32, #tpu.memory_space<vmem_shared>>
      tpu.enqueue_dma source(%arg10 : memref<128x128xf32, #tpu.memory_space<vmem>>) target(%dma_start3A_35 : memref<128x128xf32, #tpu.memory_space<vmem_shared>>) target_semaphore(%run_scoped3A : memref<!tpu.dma_semaphore, #tpu.memory_space<semaphore_mem>>)
      %dma_wait3A = arith.constant 0 : i32
      %dma_wait3A_36 = tpu.memref_slice %arg11[%add3A_6, %dma_wait3A] : memref<10240x128xf32, #tpu.memory_space<vmem_shared>> -> memref<128x128xf32, #tpu.memory_space<vmem_shared>>
      %dma_wait3A_37 = arith.constant 0 : i32
      %dma_wait3A_38 = tpu.memref_slice %arg11[%add3A_6, %dma_wait3A_37] : memref<10240x128xf32, #tpu.memory_space<vmem_shared>> -> memref<128x128xf32, #tpu.memory_space<vmem_shared>>
      tpu.wait_dma2 semaphore(%run_scoped3A : memref<!tpu.dma_semaphore, #tpu.memory_space<semaphore_mem>>) src(%arg10 : memref<128x128xf32, #tpu.memory_space<vmem>>) dst(%dma_wait3A_38 : memref<128x128xf32, #tpu.memory_space<vmem_shared>>)
      tpu.yield
    }) : () -> ()
    %mul3A_7 = arith.constant 640 : i32
    %mul3A_8 = arith.muli %arg1, %mul3A_7 : i32
    %add3A_9 = arith.constant 128 : i32
    %add3A_10 = arith.addi %mul3A_8, %add3A_9 : i32
    "tpu.region"() ({
      %run_scoped3A = tpu.sem_alloc : memref<!tpu.dma_semaphore, #tpu.memory_space<semaphore_mem>>
      %dma_start3A = arith.constant 0 : i32
      %dma_start3A_33 = tpu.memref_slice %arg11[%add3A_10, %dma_start3A] : memref<10240x128xf32, #tpu.memory_space<vmem_shared>> -> memref<128x128xf32, #tpu.memory_space<vmem_shared>>
      %dma_start3A_34 = arith.constant 0 : i32
      %dma_start3A_35 = tpu.memref_slice %arg11[%add3A_10, %dma_start3A_34] : memref<10240x128xf32, #tpu.memory_space<vmem_shared>> -> memref<128x128xf32, #tpu.memory_space<vmem_shared>>
      tpu.enqueue_dma source(%arg10 : memref<128x128xf32, #tpu.memory_space<vmem>>) target(%dma_start3A_35 : memref<128x128xf32, #tpu.memory_space<vmem_shared>>) target_semaphore(%run_scoped3A : memref<!tpu.dma_semaphore, #tpu.memory_space<semaphore_mem>>)
      %dma_wait3A = arith.constant 0 : i32
      %dma_wait3A_36 = tpu.memref_slice %arg11[%add3A_10, %dma_wait3A] : memref<10240x128xf32, #tpu.memory_space<vmem_shared>> -> memref<128x128xf32, #tpu.memory_space<vmem_shared>>
      %dma_wait3A_37 = arith.constant 0 : i32
      %dma_wait3A_38 = tpu.memref_slice %arg11[%add3A_10, %dma_wait3A_37] : memref<10240x128xf32, #tpu.memory_space<vmem_shared>> -> memref<128x128xf32, #tpu.memory_space<vmem_shared>>
      tpu.wait_dma2 semaphore(%run_scoped3A : memref<!tpu.dma_semaphore, #tpu.memory_space<semaphore_mem>>) src(%arg10 : memref<128x128xf32, #tpu.memory_space<vmem>>) dst(%dma_wait3A_38 : memref<128x128xf32, #tpu.memory_space<vmem_shared>>)
      tpu.yield
    }) : () -> ()
    %mul3A_11 = arith.constant 640 : i32
    %mul3A_12 = arith.muli %arg1, %mul3A_11 : i32
    %add3A_13 = arith.constant 256 : i32
    %add3A_14 = arith.addi %mul3A_12, %add3A_13 : i32
    "tpu.region"() ({
      %run_scoped3A = tpu.sem_alloc : memref<!tpu.dma_semaphore, #tpu.memory_space<semaphore_mem>>
      %dma_start3A = arith.constant 0 : i32
      %dma_start3A_33 = tpu.memref_slice %arg11[%add3A_14, %dma_start3A] : memref<10240x128xf32, #tpu.memory_space<vmem_shared>> -> memref<128x128xf32, #tpu.memory_space<vmem_shared>>
      %dma_start3A_34 = arith.constant 0 : i32
      %dma_start3A_35 = tpu.memref_slice %arg11[%add3A_14, %dma_start3A_34] : memref<10240x128xf32, #tpu.memory_space<vmem_shared>> -> memref<128x128xf32, #tpu.memory_space<vmem_shared>>
      tpu.enqueue_dma source(%arg10 : memref<128x128xf32, #tpu.memory_space<vmem>>) target(%dma_start3A_35 : memref<128x128xf32, #tpu.memory_space<vmem_shared>>) target_semaphore(%run_scoped3A : memref<!tpu.dma_semaphore, #tpu.memory_space<semaphore_mem>>)
      %dma_wait3A = arith.constant 0 : i32
      %dma_wait3A_36 = tpu.memref_slice %arg11[%add3A_14, %dma_wait3A] : memref<10240x128xf32, #tpu.memory_space<vmem_shared>> -> memref<128x128xf32, #tpu.memory_space<vmem_shared>>
      %dma_wait3A_37 = arith.constant 0 : i32
      %dma_wait3A_38 = tpu.memref_slice %arg11[%add3A_14, %dma_wait3A_37] : memref<10240x128xf32, #tpu.memory_space<vmem_shared>> -> memref<128x128xf32, #tpu.memory_space<vmem_shared>>
      tpu.wait_dma2 semaphore(%run_scoped3A : memref<!tpu.dma_semaphore, #tpu.memory_space<semaphore_mem>>) src(%arg10 : memref<128x128xf32, #tpu.memory_space<vmem>>) dst(%dma_wait3A_38 : memref<128x128xf32, #tpu.memory_space<vmem_shared>>)
      tpu.yield
    }) : () -> ()
    %mul3A_15 = arith.constant 640 : i32
    %mul3A_16 = arith.muli %arg1, %mul3A_15 : i32
    %add3A_17 = arith.constant 384 : i32
    %add3A_18 = arith.addi %mul3A_16, %add3A_17 : i32
    "tpu.region"() ({
      %run_scoped3A = tpu.sem_alloc : memref<!tpu.dma_semaphore, #tpu.memory_space<semaphore_mem>>
      %dma_start3A = arith.constant 0 : i32
      %dma_start3A_33 = tpu.memref_slice %arg11[%add3A_18, %dma_start3A] : memref<10240x128xf32, #tpu.memory_space<vmem_shared>> -> memref<128x128xf32, #tpu.memory_space<vmem_shared>>
      %dma_start3A_34 = arith.constant 0 : i32
      %dma_start3A_35 = tpu.memref_slice %arg11[%add3A_18, %dma_start3A_34] : memref<10240x128xf32, #tpu.memory_space<vmem_shared>> -> memref<128x128xf32, #tpu.memory_space<vmem_shared>>
      tpu.enqueue_dma source(%arg10 : memref<128x128xf32, #tpu.memory_space<vmem>>) target(%dma_start3A_35 : memref<128x128xf32, #tpu.memory_space<vmem_shared>>) target_semaphore(%run_scoped3A : memref<!tpu.dma_semaphore, #tpu.memory_space<semaphore_mem>>)
      %dma_wait3A = arith.constant 0 : i32
      %dma_wait3A_36 = tpu.memref_slice %arg11[%add3A_18, %dma_wait3A] : memref<10240x128xf32, #tpu.memory_space<vmem_shared>> -> memref<128x128xf32, #tpu.memory_space<vmem_shared>>
      %dma_wait3A_37 = arith.constant 0 : i32
      %dma_wait3A_38 = tpu.memref_slice %arg11[%add3A_18, %dma_wait3A_37] : memref<10240x128xf32, #tpu.memory_space<vmem_shared>> -> memref<128x128xf32, #tpu.memory_space<vmem_shared>>
      tpu.wait_dma2 semaphore(%run_scoped3A : memref<!tpu.dma_semaphore, #tpu.memory_space<semaphore_mem>>) src(%arg10 : memref<128x128xf32, #tpu.memory_space<vmem>>) dst(%dma_wait3A_38 : memref<128x128xf32, #tpu.memory_space<vmem_shared>>)
      tpu.yield
    }) : () -> ()
    %mul3A_19 = arith.constant 640 : i32
    %mul3A_20 = arith.muli %arg1, %mul3A_19 : i32
    %add3A_21 = arith.constant 512 : i32
    %add3A_22 = arith.addi %mul3A_20, %add3A_21 : i32
    "tpu.region"() ({
      %run_scoped3A = tpu.sem_alloc : memref<!tpu.dma_semaphore, #tpu.memory_space<semaphore_mem>>
      %dma_start3A = arith.constant 0 : i32
      %dma_start3A_33 = tpu.memref_slice %arg11[%add3A_22, %dma_start3A] : memref<10240x128xf32, #tpu.memory_space<vmem_shared>> -> memref<128x128xf32, #tpu.memory_space<vmem_shared>>
      %dma_start3A_34 = arith.constant 0 : i32
      %dma_start3A_35 = tpu.memref_slice %arg11[%add3A_22, %dma_start3A_34] : memref<10240x128xf32, #tpu.memory_space<vmem_shared>> -> memref<128x128xf32, #tpu.memory_space<vmem_shared>>
      tpu.enqueue_dma source(%arg10 : memref<128x128xf32, #tpu.memory_space<vmem>>) target(%dma_start3A_35 : memref<128x128xf32, #tpu.memory_space<vmem_shared>>) target_semaphore(%run_scoped3A : memref<!tpu.dma_semaphore, #tpu.memory_space<semaphore_mem>>)
      %dma_wait3A = arith.constant 0 : i32
      %dma_wait3A_36 = tpu.memref_slice %arg11[%add3A_22, %dma_wait3A] : memref<10240x128xf32, #tpu.memory_space<vmem_shared>> -> memref<128x128xf32, #tpu.memory_space<vmem_shared>>
      %dma_wait3A_37 = arith.constant 0 : i32
      %dma_wait3A_38 = tpu.memref_slice %arg11[%add3A_22, %dma_wait3A_37] : memref<10240x128xf32, #tpu.memory_space<vmem_shared>> -> memref<128x128xf32, #tpu.memory_space<vmem_shared>>
      tpu.wait_dma2 semaphore(%run_scoped3A : memref<!tpu.dma_semaphore, #tpu.memory_space<semaphore_mem>>) src(%arg10 : memref<128x128xf32, #tpu.memory_space<vmem>>) dst(%dma_wait3A_38 : memref<128x128xf32, #tpu.memory_space<vmem_shared>>)
      tpu.yield
    }) : () -> ()
    %barrier3A = arith.constant 0 : index
    tpu.barrier barrier_id(%barrier3A)
    %scan3A_23 = arith.constant 0 : i32
    %scan3A_24 = arith.constant 5 : i32
    %scan3A_25 = arith.addi %scan3A_23, %scan3A_24 : i32
    %scan3A_26 = arith.constant 1 : i32
    scf.for %scan3A_33 = %scan3A_23 to %scan3A_25 step %scan3A_26  : i32 {
      %mul3A_34 = arith.constant 1 : i32
      %mul3A_35 = arith.muli %scan3A_33, %mul3A_34 : i32
      %add3A_36 = arith.constant 0 : i32
      %add3A_37 = arith.addi %add3A_36, %mul3A_35 : i32
      "tpu.region"() ({
        %run_scoped3A = tpu.sem_alloc : memref<!tpu.dma_semaphore, #tpu.memory_space<semaphore_mem>>
        %dma_start3A = arith.constant 0 : i32
        %dma_start3A_43 = arith.constant 0 : i32
        %dma_start3A_44 = arith.constant 0 : i32
        %dma_start3A_45 = tpu.memref_slice %arg3[%arg1, %dma_start3A, %dma_start3A_43, %dma_start3A_44] : memref<16x5x16x128xi32, #tpu.memory_space<hbm>> -> memref<1x5x16x128xi32, #tpu.memory_space<hbm>>
        %dma_start3A_46 = tpu.memref_squeeze %dma_start3A_45 : memref<1x5x16x128xi32, #tpu.memory_space<hbm>> -> memref<5x16x128xi32, #tpu.memory_space<hbm>>
        %dma_start3A_47 = arith.constant 0 : i32
        %dma_start3A_48 = arith.constant 0 : i32
        %dma_start3A_49 = tpu.memref_slice %dma_start3A_46[%add3A_37, %dma_start3A_47, %dma_start3A_48] : memref<5x16x128xi32, #tpu.memory_space<hbm>> -> memref<1x16x128xi32, #tpu.memory_space<hbm>>
        %dma_start3A_50 = tpu.memref_squeeze %dma_start3A_49 : memref<1x16x128xi32, #tpu.memory_space<hbm>> -> memref<16x128xi32, #tpu.memory_space<hbm>>
        %dma_start3A_51 = arith.constant 0 : i32
        %dma_start3A_52 = arith.constant 0 : i32
        %dma_start3A_53 = arith.constant 0 : i32
        %dma_start3A_54 = tpu.memref_slice %arg3[%arg1, %dma_start3A_51, %dma_start3A_52, %dma_start3A_53] : memref<16x5x16x128xi32, #tpu.memory_space<hbm>> -> memref<1x5x16x128xi32, #tpu.memory_space<hbm>>
        %dma_start3A_55 = tpu.memref_squeeze %dma_start3A_54 : memref<1x5x16x128xi32, #tpu.memory_space<hbm>> -> memref<5x16x128xi32, #tpu.memory_space<hbm>>
        %dma_start3A_56 = arith.constant 0 : i32
        %dma_start3A_57 = arith.constant 0 : i32
        %dma_start3A_58 = tpu.memref_slice %dma_start3A_55[%add3A_37, %dma_start3A_56, %dma_start3A_57] : memref<5x16x128xi32, #tpu.memory_space<hbm>> -> memref<1x16x128xi32, #tpu.memory_space<hbm>>
        %dma_start3A_59 = tpu.memref_squeeze %dma_start3A_58 : memref<1x16x128xi32, #tpu.memory_space<hbm>> -> memref<16x128xi32, #tpu.memory_space<hbm>>
        tpu.enqueue_dma source(%dma_start3A_59 : memref<16x128xi32, #tpu.memory_space<hbm>>) target(%arg7 : memref<16x128xi32, #tpu.memory_space<vmem>>) target_semaphore(%run_scoped3A : memref<!tpu.dma_semaphore, #tpu.memory_space<semaphore_mem>>)
        %dma_wait3A = arith.constant 0 : i32
        %dma_wait3A_60 = arith.constant 0 : i32
        %dma_wait3A_61 = arith.constant 0 : i32
        %dma_wait3A_62 = tpu.memref_slice %arg3[%arg1, %dma_wait3A, %dma_wait3A_60, %dma_wait3A_61] : memref<16x5x16x128xi32, #tpu.memory_space<hbm>> -> memref<1x5x16x128xi32, #tpu.memory_space<hbm>>
        %dma_wait3A_63 = tpu.memref_squeeze %dma_wait3A_62 : memref<1x5x16x128xi32, #tpu.memory_space<hbm>> -> memref<5x16x128xi32, #tpu.memory_space<hbm>>
        %dma_wait3A_64 = arith.constant 0 : i32
        %dma_wait3A_65 = arith.constant 0 : i32
        %dma_wait3A_66 = tpu.memref_slice %dma_wait3A_63[%add3A_37, %dma_wait3A_64, %dma_wait3A_65] : memref<5x16x128xi32, #tpu.memory_space<hbm>> -> memref<1x16x128xi32, #tpu.memory_space<hbm>>
        %dma_wait3A_67 = tpu.memref_squeeze %dma_wait3A_66 : memref<1x16x128xi32, #tpu.memory_space<hbm>> -> memref<16x128xi32, #tpu.memory_space<hbm>>
        %dma_wait3A_68 = arith.constant 0 : i32
        %dma_wait3A_69 = arith.constant 0 : i32
        %dma_wait3A_70 = arith.constant 0 : i32
        %dma_wait3A_71 = tpu.memref_slice %arg3[%arg1, %dma_wait3A_68, %dma_wait3A_69, %dma_wait3A_70] : memref<16x5x16x128xi32, #tpu.memory_space<hbm>> -> memref<1x5x16x128xi32, #tpu.memory_space<hbm>>
        %dma_wait3A_72 = tpu.memref_squeeze %dma_wait3A_71 : memref<1x5x16x128xi32, #tpu.memory_space<hbm>> -> memref<5x16x128xi32, #tpu.memory_space<hbm>>
        %dma_wait3A_73 = arith.constant 0 : i32
        %dma_wait3A_74 = arith.constant 0 : i32
        %dma_wait3A_75 = tpu.memref_slice %dma_wait3A_72[%add3A_37, %dma_wait3A_73, %dma_wait3A_74] : memref<5x16x128xi32, #tpu.memory_space<hbm>> -> memref<1x16x128xi32, #tpu.memory_space<hbm>>
        %dma_wait3A_76 = tpu.memref_squeeze %dma_wait3A_75 : memref<1x16x128xi32, #tpu.memory_space<hbm>> -> memref<16x128xi32, #tpu.memory_space<hbm>>
        tpu.wait_dma2 semaphore(%run_scoped3A : memref<!tpu.dma_semaphore, #tpu.memory_space<semaphore_mem>>) src(%dma_wait3A_76 : memref<16x128xi32, #tpu.memory_space<hbm>>) dst(%arg7 : memref<16x128xi32, #tpu.memory_space<vmem>>)
        tpu.yield
      }) : () -> ()
      "tpu.region"() ({
        %run_scoped3A = tpu.sem_alloc : memref<!tpu.dma_semaphore, #tpu.memory_space<semaphore_mem>>
        %dma_start3A = arith.constant 0 : i32
        %dma_start3A_43 = arith.constant 0 : i32
        %dma_start3A_44 = arith.constant 0 : i32
        %dma_start3A_45 = tpu.memref_slice %arg4[%arg1, %dma_start3A, %dma_start3A_43, %dma_start3A_44] : memref<16x5x16x128xi32, #tpu.memory_space<hbm>> -> memref<1x5x16x128xi32, #tpu.memory_space<hbm>>
        %dma_start3A_46 = tpu.memref_squeeze %dma_start3A_45 : memref<1x5x16x128xi32, #tpu.memory_space<hbm>> -> memref<5x16x128xi32, #tpu.memory_space<hbm>>
        %dma_start3A_47 = arith.constant 0 : i32
        %dma_start3A_48 = arith.constant 0 : i32
        %dma_start3A_49 = tpu.memref_slice %dma_start3A_46[%add3A_37, %dma_start3A_47, %dma_start3A_48] : memref<5x16x128xi32, #tpu.memory_space<hbm>> -> memref<1x16x128xi32, #tpu.memory_space<hbm>>
        %dma_start3A_50 = tpu.memref_squeeze %dma_start3A_49 : memref<1x16x128xi32, #tpu.memory_space<hbm>> -> memref<16x128xi32, #tpu.memory_space<hbm>>
        %dma_start3A_51 = arith.constant 0 : i32
        %dma_start3A_52 = arith.constant 0 : i32
        %dma_start3A_53 = arith.constant 0 : i32
        %dma_start3A_54 = tpu.memref_slice %arg4[%arg1, %dma_start3A_51, %dma_start3A_52, %dma_start3A_53] : memref<16x5x16x128xi32, #tpu.memory_space<hbm>> -> memref<1x5x16x128xi32, #tpu.memory_space<hbm>>
        %dma_start3A_55 = tpu.memref_squeeze %dma_start3A_54 : memref<1x5x16x128xi32, #tpu.memory_space<hbm>> -> memref<5x16x128xi32, #tpu.memory_space<hbm>>
        %dma_start3A_56 = arith.constant 0 : i32
        %dma_start3A_57 = arith.constant 0 : i32
        %dma_start3A_58 = tpu.memref_slice %dma_start3A_55[%add3A_37, %dma_start3A_56, %dma_start3A_57] : memref<5x16x128xi32, #tpu.memory_space<hbm>> -> memref<1x16x128xi32, #tpu.memory_space<hbm>>
        %dma_start3A_59 = tpu.memref_squeeze %dma_start3A_58 : memref<1x16x128xi32, #tpu.memory_space<hbm>> -> memref<16x128xi32, #tpu.memory_space<hbm>>
        tpu.enqueue_dma source(%dma_start3A_59 : memref<16x128xi32, #tpu.memory_space<hbm>>) target(%arg8 : memref<16x128xi32, #tpu.memory_space<vmem>>) target_semaphore(%run_scoped3A : memref<!tpu.dma_semaphore, #tpu.memory_space<semaphore_mem>>)
        %dma_wait3A = arith.constant 0 : i32
        %dma_wait3A_60 = arith.constant 0 : i32
        %dma_wait3A_61 = arith.constant 0 : i32
        %dma_wait3A_62 = tpu.memref_slice %arg4[%arg1, %dma_wait3A, %dma_wait3A_60, %dma_wait3A_61] : memref<16x5x16x128xi32, #tpu.memory_space<hbm>> -> memref<1x5x16x128xi32, #tpu.memory_space<hbm>>
        %dma_wait3A_63 = tpu.memref_squeeze %dma_wait3A_62 : memref<1x5x16x128xi32, #tpu.memory_space<hbm>> -> memref<5x16x128xi32, #tpu.memory_space<hbm>>
        %dma_wait3A_64 = arith.constant 0 : i32
        %dma_wait3A_65 = arith.constant 0 : i32
        %dma_wait3A_66 = tpu.memref_slice %dma_wait3A_63[%add3A_37, %dma_wait3A_64, %dma_wait3A_65] : memref<5x16x128xi32, #tpu.memory_space<hbm>> -> memref<1x16x128xi32, #tpu.memory_space<hbm>>
        %dma_wait3A_67 = tpu.memref_squeeze %dma_wait3A_66 : memref<1x16x128xi32, #tpu.memory_space<hbm>> -> memref<16x128xi32, #tpu.memory_space<hbm>>
        %dma_wait3A_68 = arith.constant 0 : i32
        %dma_wait3A_69 = arith.constant 0 : i32
        %dma_wait3A_70 = arith.constant 0 : i32
        %dma_wait3A_71 = tpu.memref_slice %arg4[%arg1, %dma_wait3A_68, %dma_wait3A_69, %dma_wait3A_70] : memref<16x5x16x128xi32, #tpu.memory_space<hbm>> -> memref<1x5x16x128xi32, #tpu.memory_space<hbm>>
        %dma_wait3A_72 = tpu.memref_squeeze %dma_wait3A_71 : memref<1x5x16x128xi32, #tpu.memory_space<hbm>> -> memref<5x16x128xi32, #tpu.memory_space<hbm>>
        %dma_wait3A_73 = arith.constant 0 : i32
        %dma_wait3A_74 = arith.constant 0 : i32
        %dma_wait3A_75 = tpu.memref_slice %dma_wait3A_72[%add3A_37, %dma_wait3A_73, %dma_wait3A_74] : memref<5x16x128xi32, #tpu.memory_space<hbm>> -> memref<1x16x128xi32, #tpu.memory_space<hbm>>
        %dma_wait3A_76 = tpu.memref_squeeze %dma_wait3A_75 : memref<1x16x128xi32, #tpu.memory_space<hbm>> -> memref<16x128xi32, #tpu.memory_space<hbm>>
        tpu.wait_dma2 semaphore(%run_scoped3A : memref<!tpu.dma_semaphore, #tpu.memory_space<semaphore_mem>>) src(%dma_wait3A_76 : memref<16x128xi32, #tpu.memory_space<hbm>>) dst(%arg8 : memref<16x128xi32, #tpu.memory_space<vmem>>)
        tpu.yield
      }) : () -> ()
      "tpu.region"() ({
        %run_scoped3A = tpu.sem_alloc : memref<!tpu.dma_semaphore, #tpu.memory_space<semaphore_mem>>
        %dma_start3A = arith.constant 0 : i32
        %dma_start3A_43 = arith.constant 0 : i32
        %dma_start3A_44 = arith.constant 0 : i32
        %dma_start3A_45 = tpu.memref_slice %arg5[%arg1, %dma_start3A, %dma_start3A_43, %dma_start3A_44] : memref<16x5x16x128xf32, #tpu.memory_space<hbm>> -> memref<1x5x16x128xf32, #tpu.memory_space<hbm>>
        %dma_start3A_46 = tpu.memref_squeeze %dma_start3A_45 : memref<1x5x16x128xf32, #tpu.memory_space<hbm>> -> memref<5x16x128xf32, #tpu.memory_space<hbm>>
        %dma_start3A_47 = arith.constant 0 : i32
        %dma_start3A_48 = arith.constant 0 : i32
        %dma_start3A_49 = tpu.memref_slice %dma_start3A_46[%add3A_37, %dma_start3A_47, %dma_start3A_48] : memref<5x16x128xf32, #tpu.memory_space<hbm>> -> memref<1x16x128xf32, #tpu.memory_space<hbm>>
        %dma_start3A_50 = tpu.memref_squeeze %dma_start3A_49 : memref<1x16x128xf32, #tpu.memory_space<hbm>> -> memref<16x128xf32, #tpu.memory_space<hbm>>
        %dma_start3A_51 = arith.constant 0 : i32
        %dma_start3A_52 = arith.constant 0 : i32
        %dma_start3A_53 = arith.constant 0 : i32
        %dma_start3A_54 = tpu.memref_slice %arg5[%arg1, %dma_start3A_51, %dma_start3A_52, %dma_start3A_53] : memref<16x5x16x128xf32, #tpu.memory_space<hbm>> -> memref<1x5x16x128xf32, #tpu.memory_space<hbm>>
        %dma_start3A_55 = tpu.memref_squeeze %dma_start3A_54 : memref<1x5x16x128xf32, #tpu.memory_space<hbm>> -> memref<5x16x128xf32, #tpu.memory_space<hbm>>
        %dma_start3A_56 = arith.constant 0 : i32
        %dma_start3A_57 = arith.constant 0 : i32
        %dma_start3A_58 = tpu.memref_slice %dma_start3A_55[%add3A_37, %dma_start3A_56, %dma_start3A_57] : memref<5x16x128xf32, #tpu.memory_space<hbm>> -> memref<1x16x128xf32, #tpu.memory_space<hbm>>
        %dma_start3A_59 = tpu.memref_squeeze %dma_start3A_58 : memref<1x16x128xf32, #tpu.memory_space<hbm>> -> memref<16x128xf32, #tpu.memory_space<hbm>>
        tpu.enqueue_dma source(%dma_start3A_59 : memref<16x128xf32, #tpu.memory_space<hbm>>) target(%arg9 : memref<16x128xf32, #tpu.memory_space<vmem>>) target_semaphore(%run_scoped3A : memref<!tpu.dma_semaphore, #tpu.memory_space<semaphore_mem>>)
        %dma_wait3A = arith.constant 0 : i32
        %dma_wait3A_60 = arith.constant 0 : i32
        %dma_wait3A_61 = arith.constant 0 : i32
        %dma_wait3A_62 = tpu.memref_slice %arg5[%arg1, %dma_wait3A, %dma_wait3A_60, %dma_wait3A_61] : memref<16x5x16x128xf32, #tpu.memory_space<hbm>> -> memref<1x5x16x128xf32, #tpu.memory_space<hbm>>
        %dma_wait3A_63 = tpu.memref_squeeze %dma_wait3A_62 : memref<1x5x16x128xf32, #tpu.memory_space<hbm>> -> memref<5x16x128xf32, #tpu.memory_space<hbm>>
        %dma_wait3A_64 = arith.constant 0 : i32
        %dma_wait3A_65 = arith.constant 0 : i32
        %dma_wait3A_66 = tpu.memref_slice %dma_wait3A_63[%add3A_37, %dma_wait3A_64, %dma_wait3A_65] : memref<5x16x128xf32, #tpu.memory_space<hbm>> -> memref<1x16x128xf32, #tpu.memory_space<hbm>>
        %dma_wait3A_67 = tpu.memref_squeeze %dma_wait3A_66 : memref<1x16x128xf32, #tpu.memory_space<hbm>> -> memref<16x128xf32, #tpu.memory_space<hbm>>
        %dma_wait3A_68 = arith.constant 0 : i32
        %dma_wait3A_69 = arith.constant 0 : i32
        %dma_wait3A_70 = arith.constant 0 : i32
        %dma_wait3A_71 = tpu.memref_slice %arg5[%arg1, %dma_wait3A_68, %dma_wait3A_69, %dma_wait3A_70] : memref<16x5x16x128xf32, #tpu.memory_space<hbm>> -> memref<1x5x16x128xf32, #tpu.memory_space<hbm>>
        %dma_wait3A_72 = tpu.memref_squeeze %dma_wait3A_71 : memref<1x5x16x128xf32, #tpu.memory_space<hbm>> -> memref<5x16x128xf32, #tpu.memory_space<hbm>>
        %dma_wait3A_73 = arith.constant 0 : i32
        %dma_wait3A_74 = arith.constant 0 : i32
        %dma_wait3A_75 = tpu.memref_slice %dma_wait3A_72[%add3A_37, %dma_wait3A_73, %dma_wait3A_74] : memref<5x16x128xf32, #tpu.memory_space<hbm>> -> memref<1x16x128xf32, #tpu.memory_space<hbm>>
        %dma_wait3A_76 = tpu.memref_squeeze %dma_wait3A_75 : memref<1x16x128xf32, #tpu.memory_space<hbm>> -> memref<16x128xf32, #tpu.memory_space<hbm>>
        tpu.wait_dma2 semaphore(%run_scoped3A : memref<!tpu.dma_semaphore, #tpu.memory_space<semaphore_mem>>) src(%dma_wait3A_76 : memref<16x128xf32, #tpu.memory_space<hbm>>) dst(%arg9 : memref<16x128xf32, #tpu.memory_space<vmem>>)
        tpu.yield
      }) : () -> ()
      %scan3A_38 = arith.constant 0 : i32
      %scan3A_39 = arith.constant 16 : i32
      %scan3A_40 = arith.addi %scan3A_38, %scan3A_39 : i32
      %scan3A_41 = arith.constant 1 : i32
      scf.for %scan3A_43 = %scan3A_38 to %scan3A_40 step %scan3A_41  : i32 {
        %mul3A_44 = arith.constant 1 : i32
        %mul3A_45 = arith.muli %scan3A_43, %mul3A_44 : i32
        %add3A_46 = arith.constant 0 : i32
        %add3A_47 = arith.addi %add3A_46, %mul3A_45 : i32
        "tpu.region"() ({
          %run_scoped3A = tpu.sem_alloc : memref<!tpu.dma_semaphore, #tpu.memory_space<semaphore_mem>>
          %dma_start3A = arith.constant 0 : i32
          %dma_start3A_53 = tpu.memref_slice %arg7[%add3A_47, %dma_start3A] : memref<16x128xi32, #tpu.memory_space<vmem>> -> memref<1x128xi32, #tpu.memory_space<vmem>>
          %dma_start3A_54 = tpu.memref_squeeze %dma_start3A_53 : memref<1x128xi32, #tpu.memory_space<vmem>> -> memref<128xi32, #tpu.memory_space<vmem>>
          %dma_start3A_55 = arith.constant 0 : i32
          %dma_start3A_56 = arith.constant 0 : i32
          %dma_start3A_57 = tpu.memref_slice %arg2[%arg0, %dma_start3A_55, %dma_start3A_56] : memref<2x10000x128xf32, #tpu.memory_space<hbm>> -> memref<1x10000x128xf32, #tpu.memory_space<hbm>>
          %dma_start3A_58 = tpu.memref_squeeze %dma_start3A_57 : memref<1x10000x128xf32, #tpu.memory_space<hbm>> -> memref<10000x128xf32, #tpu.memory_space<hbm>>
          %dma_start3A_59 = arith.constant 0 : i32
          %dma_start3A_60 = arith.constant 0 : i32
          %dma_start3A_61 = tpu.memref_slice %dma_start3A_58[%dma_start3A_59, %dma_start3A_60] : memref<10000x128xf32, #tpu.memory_space<hbm>> -> memref<10000x128xf32, #tpu.memory_space<hbm>>
          tpu.enqueue_indirect_dma source(%dma_start3A_61 : memref<10000x128xf32, #tpu.memory_space<hbm>>) target(%arg10 : memref<128x128xf32, #tpu.memory_space<vmem>>) offsets(%dma_start3A_54 : memref<128xi32, #tpu.memory_space<vmem>>) semaphore(%run_scoped3A : memref<!tpu.dma_semaphore, #tpu.memory_space<semaphore_mem>>)
          %dma_wait3A = arith.constant 0 : i32
          %dma_wait3A_62 = tpu.memref_slice %arg7[%add3A_47, %dma_wait3A] : memref<16x128xi32, #tpu.memory_space<vmem>> -> memref<1x128xi32, #tpu.memory_space<vmem>>
          %dma_wait3A_63 = tpu.memref_squeeze %dma_wait3A_62 : memref<1x128xi32, #tpu.memory_space<vmem>> -> memref<128xi32, #tpu.memory_space<vmem>>
          %dma_wait3A_64 = arith.constant 0 : i32
          %dma_wait3A_65 = arith.constant 0 : i32
          %dma_wait3A_66 = tpu.memref_slice %arg2[%arg0, %dma_wait3A_64, %dma_wait3A_65] : memref<2x10000x128xf32, #tpu.memory_space<hbm>> -> memref<1x10000x128xf32, #tpu.memory_space<hbm>>
          %dma_wait3A_67 = tpu.memref_squeeze %dma_wait3A_66 : memref<1x10000x128xf32, #tpu.memory_space<hbm>> -> memref<10000x128xf32, #tpu.memory_space<hbm>>
          %dma_wait3A_68 = arith.constant 0 : i32
          %dma_wait3A_69 = arith.constant 0 : i32
          %dma_wait3A_70 = tpu.memref_slice %dma_wait3A_67[%dma_wait3A_68, %dma_wait3A_69] : memref<10000x128xf32, #tpu.memory_space<hbm>> -> memref<10000x128xf32, #tpu.memory_space<hbm>>
          tpu.wait_indirect_dma semaphore(%run_scoped3A : memref<!tpu.dma_semaphore, #tpu.memory_space<semaphore_mem>>) src(%dma_wait3A_70 : memref<10000x128xf32, #tpu.memory_space<hbm>>) dst(%arg10 : memref<128x128xf32, #tpu.memory_space<vmem>>)
          tpu.yield
        }) : () -> ()
        %scan3A_48 = arith.constant 0 : i32
        %scan3A_49 = arith.constant 128 : i32
        %scan3A_50 = arith.addi %scan3A_48, %scan3A_49 : i32
        %scan3A_51 = arith.constant 1 : i32
        scf.for %scan3A_53 = %scan3A_48 to %scan3A_50 step %scan3A_51  : i32 {
          %mul3A_54 = arith.constant 1 : i32
          %mul3A_55 = arith.muli %scan3A_53, %mul3A_54 : i32
          %add3A_56 = arith.constant 0 : i32
          %add3A_57 = arith.addi %add3A_56, %mul3A_55 : i32
          %broadcast_in_dim3A_58 = vector.broadcast %add3A_47 : i32 to vector<16xi32>
          %broadcast_in_dim3A_59 = vector.broadcast %add3A_57 : i32 to vector<16xi32>
          %gather3A = tpu.vector_load_idx %arg9[%broadcast_in_dim3A_58, %broadcast_in_dim3A_59] : memref<16x128xf32, #tpu.memory_space<vmem>>[vector<16xi32>, vector<16xi32>], vector<16xf32>,
          %get3A = arith.index_cast %add3A_57 : i32 to index
          %get3A_60 = arith.constant 0 : index
          %get3A_61 = tpu.vector_load %arg10[%get3A, %get3A_60] {strides = array<i32>} : memref<128x128xf32, #tpu.memory_space<vmem>>, vector<16xf32>,
          %mul3A_62 = arith.mulf %get3A_61, %gather3A : vector<16xf32>
          %swap3A = arith.index_cast %add3A_57 : i32 to index
          %swap3A_63 = arith.constant 0 : index
          %swap3A_64 = tpu.vector_load %arg10[%swap3A, %swap3A_63] {strides = array<i32>} : memref<128x128xf32, #tpu.memory_space<vmem>>, vector<16xf32>,
          tpu.vector_store %arg10[%swap3A, %swap3A_63], %mul3A_62 {strides = array<i32>} : memref<128x128xf32, #tpu.memory_space<vmem>>, vector<16xf32>,
          %get3A_65 = arith.index_cast %add3A_57 : i32 to index
          %get3A_66 = arith.constant 16 : index
          %get3A_67 = tpu.vector_load %arg10[%get3A_65, %get3A_66] {strides = array<i32>} : memref<128x128xf32, #tpu.memory_space<vmem>>, vector<16xf32>,
          %mul3A_68 = arith.mulf %get3A_67, %gather3A : vector<16xf32>
          %swap3A_69 = arith.index_cast %add3A_57 : i32 to index
          %swap3A_70 = arith.constant 16 : index
          %swap3A_71 = tpu.vector_load %arg10[%swap3A_69, %swap3A_70] {strides = array<i32>} : memref<128x128xf32, #tpu.memory_space<vmem>>, vector<16xf32>,
          tpu.vector_store %arg10[%swap3A_69, %swap3A_70], %mul3A_68 {strides = array<i32>} : memref<128x128xf32, #tpu.memory_space<vmem>>, vector<16xf32>,
          %get3A_72 = arith.index_cast %add3A_57 : i32 to index
          %get3A_73 = arith.constant 32 : index
          %get3A_74 = tpu.vector_load %arg10[%get3A_72, %get3A_73] {strides = array<i32>} : memref<128x128xf32, #tpu.memory_space<vmem>>, vector<16xf32>,
          %mul3A_75 = arith.mulf %get3A_74, %gather3A : vector<16xf32>
          %swap3A_76 = arith.index_cast %add3A_57 : i32 to index
          %swap3A_77 = arith.constant 32 : index
          %swap3A_78 = tpu.vector_load %arg10[%swap3A_76, %swap3A_77] {strides = array<i32>} : memref<128x128xf32, #tpu.memory_space<vmem>>, vector<16xf32>,
          tpu.vector_store %arg10[%swap3A_76, %swap3A_77], %mul3A_75 {strides = array<i32>} : memref<128x128xf32, #tpu.memory_space<vmem>>, vector<16xf32>,
          %get3A_79 = arith.index_cast %add3A_57 : i32 to index
          %get3A_80 = arith.constant 48 : index
          %get3A_81 = tpu.vector_load %arg10[%get3A_79, %get3A_80] {strides = array<i32>} : memref<128x128xf32, #tpu.memory_space<vmem>>, vector<16xf32>,
          %mul3A_82 = arith.mulf %get3A_81, %gather3A : vector<16xf32>
          %swap3A_83 = arith.index_cast %add3A_57 : i32 to index
          %swap3A_84 = arith.constant 48 : index
          %swap3A_85 = tpu.vector_load %arg10[%swap3A_83, %swap3A_84] {strides = array<i32>} : memref<128x128xf32, #tpu.memory_space<vmem>>, vector<16xf32>,
          tpu.vector_store %arg10[%swap3A_83, %swap3A_84], %mul3A_82 {strides = array<i32>} : memref<128x128xf32, #tpu.memory_space<vmem>>, vector<16xf32>,
          %get3A_86 = arith.index_cast %add3A_57 : i32 to index
          %get3A_87 = arith.constant 64 : index
          %get3A_88 = tpu.vector_load %arg10[%get3A_86, %get3A_87] {strides = array<i32>} : memref<128x128xf32, #tpu.memory_space<vmem>>, vector<16xf32>,
          %mul3A_89 = arith.mulf %get3A_88, %gather3A : vector<16xf32>
          %swap3A_90 = arith.index_cast %add3A_57 : i32 to index
          %swap3A_91 = arith.constant 64 : index
          %swap3A_92 = tpu.vector_load %arg10[%swap3A_90, %swap3A_91] {strides = array<i32>} : memref<128x128xf32, #tpu.memory_space<vmem>>, vector<16xf32>,
          tpu.vector_store %arg10[%swap3A_90, %swap3A_91], %mul3A_89 {strides = array<i32>} : memref<128x128xf32, #tpu.memory_space<vmem>>, vector<16xf32>,
          %get3A_93 = arith.index_cast %add3A_57 : i32 to index
          %get3A_94 = arith.constant 80 : index
          %get3A_95 = tpu.vector_load %arg10[%get3A_93, %get3A_94] {strides = array<i32>} : memref<128x128xf32, #tpu.memory_space<vmem>>, vector<16xf32>,
          %mul3A_96 = arith.mulf %get3A_95, %gather3A : vector<16xf32>
          %swap3A_97 = arith.index_cast %add3A_57 : i32 to index
          %swap3A_98 = arith.constant 80 : index
          %swap3A_99 = tpu.vector_load %arg10[%swap3A_97, %swap3A_98] {strides = array<i32>} : memref<128x128xf32, #tpu.memory_space<vmem>>, vector<16xf32>,
          tpu.vector_store %arg10[%swap3A_97, %swap3A_98], %mul3A_96 {strides = array<i32>} : memref<128x128xf32, #tpu.memory_space<vmem>>, vector<16xf32>,
          %get3A_100 = arith.index_cast %add3A_57 : i32 to index
          %get3A_101 = arith.constant 96 : index
          %get3A_102 = tpu.vector_load %arg10[%get3A_100, %get3A_101] {strides = array<i32>} : memref<128x128xf32, #tpu.memory_space<vmem>>, vector<16xf32>,
          %mul3A_103 = arith.mulf %get3A_102, %gather3A : vector<16xf32>
          %swap3A_104 = arith.index_cast %add3A_57 : i32 to index
          %swap3A_105 = arith.constant 96 : index
          %swap3A_106 = tpu.vector_load %arg10[%swap3A_104, %swap3A_105] {strides = array<i32>} : memref<128x128xf32, #tpu.memory_space<vmem>>, vector<16xf32>,
          tpu.vector_store %arg10[%swap3A_104, %swap3A_105], %mul3A_103 {strides = array<i32>} : memref<128x128xf32, #tpu.memory_space<vmem>>, vector<16xf32>,
          %get3A_107 = arith.index_cast %add3A_57 : i32 to index
          %get3A_108 = arith.constant 112 : index
          %get3A_109 = tpu.vector_load %arg10[%get3A_107, %get3A_108] {strides = array<i32>} : memref<128x128xf32, #tpu.memory_space<vmem>>, vector<16xf32>,
          %mul3A_110 = arith.mulf %get3A_109, %gather3A : vector<16xf32>
          %swap3A_111 = arith.index_cast %add3A_57 : i32 to index
          %swap3A_112 = arith.constant 112 : index
          %swap3A_113 = tpu.vector_load %arg10[%swap3A_111, %swap3A_112] {strides = array<i32>} : memref<128x128xf32, #tpu.memory_space<vmem>>, vector<16xf32>,
          tpu.vector_store %arg10[%swap3A_111, %swap3A_112], %mul3A_110 {strides = array<i32>} : memref<128x128xf32, #tpu.memory_space<vmem>>, vector<16xf32>,
        }
        %scan3A_52 = arith.constant 128 : i32
        "tpu.region"() ({
          %run_scoped3A = tpu.sem_alloc : memref<!tpu.dma_semaphore, #tpu.memory_space<semaphore_mem>>
          %dma_start3A = arith.constant 0 : i32
          %dma_start3A_53 = tpu.memref_slice %arg8[%add3A_47, %dma_start3A] : memref<16x128xi32, #tpu.memory_space<vmem>> -> memref<1x128xi32, #tpu.memory_space<vmem>>
          %dma_start3A_54 = tpu.memref_squeeze %dma_start3A_53 : memref<1x128xi32, #tpu.memory_space<vmem>> -> memref<128xi32, #tpu.memory_space<vmem>>
          %dma_start3A_55 = arith.constant 0 : i32
          %dma_start3A_56 = arith.constant 0 : i32
          %dma_start3A_57 = tpu.memref_slice %arg11[%dma_start3A_55, %dma_start3A_56] : memref<10240x128xf32, #tpu.memory_space<vmem_shared>> -> memref<10240x128xf32, #tpu.memory_space<vmem_shared>>
          tpu.enqueue_indirect_dma source(%arg10 : memref<128x128xf32, #tpu.memory_space<vmem>>) target(%dma_start3A_57 : memref<10240x128xf32, #tpu.memory_space<vmem_shared>>) offsets(%dma_start3A_54 : memref<128xi32, #tpu.memory_space<vmem>>) semaphore(%run_scoped3A : memref<!tpu.dma_semaphore, #tpu.memory_space<semaphore_mem>>) {add = true}
          %dma_wait3A = arith.constant 0 : i32
          %dma_wait3A_58 = tpu.memref_slice %arg8[%add3A_47, %dma_wait3A] : memref<16x128xi32, #tpu.memory_space<vmem>> -> memref<1x128xi32, #tpu.memory_space<vmem>>
          %dma_wait3A_59 = tpu.memref_squeeze %dma_wait3A_58 : memref<1x128xi32, #tpu.memory_space<vmem>> -> memref<128xi32, #tpu.memory_space<vmem>>
          %dma_wait3A_60 = arith.constant 0 : i32
          %dma_wait3A_61 = arith.constant 0 : i32
          %dma_wait3A_62 = tpu.memref_slice %arg11[%dma_wait3A_60, %dma_wait3A_61] : memref<10240x128xf32, #tpu.memory_space<vmem_shared>> -> memref<10240x128xf32, #tpu.memory_space<vmem_shared>>
          tpu.wait_indirect_dma semaphore(%run_scoped3A : memref<!tpu.dma_semaphore, #tpu.memory_space<semaphore_mem>>) src(%arg10 : memref<128x128xf32, #tpu.memory_space<vmem>>) dst(%dma_wait3A_62 : memref<10240x128xf32, #tpu.memory_space<vmem_shared>>)
          tpu.yield
        }) : () -> ()
      }
      %scan3A_42 = arith.constant 16 : i32
    }
    %scan3A_27 = arith.constant 5 : i32
    %barrier3A_28 = arith.constant 0 : index
    tpu.barrier barrier_id(%barrier3A_28)
    %mul3A_29 = arith.constant 640 : i32
    %mul3A_30 = arith.muli %arg1, %mul3A_29 : i32
    %mul3A_31 = arith.constant 640 : i32
    %mul3A_32 = arith.muli %arg1, %mul3A_31 : i32
    "tpu.region"() ({
      %run_scoped3A = tpu.sem_alloc : memref<!tpu.dma_semaphore, #tpu.memory_space<semaphore_mem>>
      %dma_start3A = arith.constant 0 : i32
      %dma_start3A_33 = arith.constant 0 : i32
      %dma_start3A_34 = tpu.memref_slice %arg6[%arg0, %dma_start3A, %dma_start3A_33] : memref<2x10240x128xf32, #tpu.memory_space<hbm>> -> memref<1x10240x128xf32, #tpu.memory_space<hbm>>
      %dma_start3A_35 = tpu.memref_squeeze %dma_start3A_34 : memref<1x10240x128xf32, #tpu.memory_space<hbm>> -> memref<10240x128xf32, #tpu.memory_space<hbm>>
      %dma_start3A_36 = arith.constant 0 : i32
      %dma_start3A_37 = tpu.memref_slice %dma_start3A_35[%mul3A_32, %dma_start3A_36] : memref<10240x128xf32, #tpu.memory_space<hbm>> -> memref<640x128xf32, #tpu.memory_space<hbm>>
      %dma_start3A_38 = arith.constant 0 : i32
      %dma_start3A_39 = tpu.memref_slice %arg11[%mul3A_30, %dma_start3A_38] : memref<10240x128xf32, #tpu.memory_space<vmem_shared>> -> memref<640x128xf32, #tpu.memory_space<vmem_shared>>
      tpu.enqueue_dma source(%dma_start3A_39 : memref<640x128xf32, #tpu.memory_space<vmem_shared>>) target(%dma_start3A_37 : memref<640x128xf32, #tpu.memory_space<hbm>>) target_semaphore(%run_scoped3A : memref<!tpu.dma_semaphore, #tpu.memory_space<semaphore_mem>>)
      %dma_wait3A = arith.constant 0 : i32
      %dma_wait3A_40 = arith.constant 0 : i32
      %dma_wait3A_41 = tpu.memref_slice %arg6[%arg0, %dma_wait3A, %dma_wait3A_40] : memref<2x10240x128xf32, #tpu.memory_space<hbm>> -> memref<1x10240x128xf32, #tpu.memory_space<hbm>>
      %dma_wait3A_42 = tpu.memref_squeeze %dma_wait3A_41 : memref<1x10240x128xf32, #tpu.memory_space<hbm>> -> memref<10240x128xf32, #tpu.memory_space<hbm>>
      %dma_wait3A_43 = arith.constant 0 : i32
      %dma_wait3A_44 = tpu.memref_slice %dma_wait3A_42[%mul3A_32, %dma_wait3A_43] : memref<10240x128xf32, #tpu.memory_space<hbm>> -> memref<640x128xf32, #tpu.memory_space<hbm>>
      %dma_wait3A_45 = arith.constant 0 : i32
      %dma_wait3A_46 = tpu.memref_slice %arg11[%mul3A_30, %dma_wait3A_45] : memref<10240x128xf32, #tpu.memory_space<vmem_shared>> -> memref<640x128xf32, #tpu.memory_space<vmem_shared>>
      tpu.wait_dma2 semaphore(%run_scoped3A : memref<!tpu.dma_semaphore, #tpu.memory_space<semaphore_mem>>) src(%dma_wait3A_46 : memref<640x128xf32, #tpu.memory_space<vmem_shared>>) dst(%dma_wait3A_44 : memref<640x128xf32, #tpu.memory_space<hbm>>)
      tpu.yield
    }) : () -> ()
    return
  }
}

#map = affine_map<(d0, d1) -> (0, 0, 0)>
#map1 = affine_map<(d0, d1) -> (0, 0, 0, 0)>
module attributes {stable_mosaic.version = 14 : i64} {
  func.func @k(%arg0: i32, %arg1: i32, %arg2: memref<2x10240x128xf32, #tpu.memory_space<hbm>>, %arg3: memref<16x5x16x128xi32, #tpu.memory_space<hbm>>, %arg4: memref<16x5x16x128xi32, #tpu.memory_space<hbm>>, %arg5: memref<16x5x16x128xf32, #tpu.memory_space<hbm>>, %arg6: memref<2x10240x128xf32, #tpu.memory_space<hbm>>, %arg7: memref<16x128xi32, #tpu.memory_space<vmem>>, %arg8: memref<16x128xi32, #tpu.memory_space<vmem>>, %arg9: memref<16x128xf32, #tpu.memory_space<vmem>>, %arg10: memref<128x128xf32, #tpu.memory_space<vmem>>, %arg11: memref<10240x128xf32, #tpu.memory_space<vmem_shared>>) attributes {dimension_semantics = [#tpu.dimension_semantics<core_parallel>, #tpu.dimension_semantics<subcore_parallel>], iteration_bounds = array<i64: 2, 16>, scalar_prefetch = 0 : i64, scratch_operands = 5 : i64, tpu.core_type = #tpu.core_type<sc_vector_subcore>, window_params = [{transform_indices = #map}, {transform_indices = #map1}, {transform_indices = #map1}, {transform_indices = #map1}, {transform_indices = #map}]} {
    %broadcast_in_dim3A = arith.constant 0.000000e+00 : f32
    %broadcast_in_dim3A_0 = vector.broadcast %broadcast_in_dim3A : f32 to vector<16xf32>
    %scan3A = arith.constant 0 : i32
    %scan3A_1 = arith.constant 128 : i32
    %scan3A_2 = arith.addi %scan3A, %scan3A_1 : i32
    %scan3A_3 = arith.constant 1 : i32
    scf.for %scan3A_33 = %scan3A to %scan3A_2 step %scan3A_3  : i32 {
      %mul3A_34 = arith.constant 1 : i32
      %mul3A_35 = arith.muli %scan3A_33, %mul3A_34 : i32
      %add3A_36 = arith.constant 0 : i32
      %add3A_37 = arith.addi %add3A_36, %mul3A_35 : i32
      %swap3A = arith.index_cast %add3A_37 : i32 to index
      %swap3A_38 = arith.constant 0 : index
      %swap3A_39 = tpu.vector_load %arg10[%swap3A, %swap3A_38] {strides = array<i32>} : memref<128x128xf32, #tpu.memory_space<vmem>>, vector<16xf32>,
      tpu.vector_store %arg10[%swap3A, %swap3A_38], %broadcast_in_dim3A_0 {strides = array<i32>} : memref<128x128xf32, #tpu.memory_space<vmem>>, vector<16xf32>,
      %swap3A_40 = arith.index_cast %add3A_37 : i32 to index
      %swap3A_41 = arith.constant 16 : index
      %swap3A_42 = tpu.vector_load %arg10[%swap3A_40, %swap3A_41] {strides = array<i32>} : memref<128x128xf32, #tpu.memory_space<vmem>>, vector<16xf32>,
      tpu.vector_store %arg10[%swap3A_40, %swap3A_41], %broadcast_in_dim3A_0 {strides = array<i32>} : memref<128x128xf32, #tpu.memory_space<vmem>>, vector<16xf32>,
      %swap3A_43 = arith.index_cast %add3A_37 : i32 to index
      %swap3A_44 = arith.constant 32 : index
      %swap3A_45 = tpu.vector_load %arg10[%swap3A_43, %swap3A_44] {strides = array<i32>} : memref<128x128xf32, #tpu.memory_space<vmem>>, vector<16xf32>,
      tpu.vector_store %arg10[%swap3A_43, %swap3A_44], %broadcast_in_dim3A_0 {strides = array<i32>} : memref<128x128xf32, #tpu.memory_space<vmem>>, vector<16xf32>,
      %swap3A_46 = arith.index_cast %add3A_37 : i32 to index
      %swap3A_47 = arith.constant 48 : index
      %swap3A_48 = tpu.vector_load %arg10[%swap3A_46, %swap3A_47] {strides = array<i32>} : memref<128x128xf32, #tpu.memory_space<vmem>>, vector<16xf32>,
      tpu.vector_store %arg10[%swap3A_46, %swap3A_47], %broadcast_in_dim3A_0 {strides = array<i32>} : memref<128x128xf32, #tpu.memory_space<vmem>>, vector<16xf32>,
      %swap3A_49 = arith.index_cast %add3A_37 : i32 to index
      %swap3A_50 = arith.constant 64 : index
      %swap3A_51 = tpu.vector_load %arg10[%swap3A_49, %swap3A_50] {strides = array<i32>} : memref<128x128xf32, #tpu.memory_space<vmem>>, vector<16xf32>,
      tpu.vector_store %arg10[%swap3A_49, %swap3A_50], %broadcast_in_dim3A_0 {strides = array<i32>} : memref<128x128xf32, #tpu.memory_space<vmem>>, vector<16xf32>,
      %swap3A_52 = arith.index_cast %add3A_37 : i32 to index
      %swap3A_53 = arith.constant 80 : index
      %swap3A_54 = tpu.vector_load %arg10[%swap3A_52, %swap3A_53] {strides = array<i32>} : memref<128x128xf32, #tpu.memory_space<vmem>>, vector<16xf32>,
      tpu.vector_store %arg10[%swap3A_52, %swap3A_53], %broadcast_in_dim3A_0 {strides = array<i32>} : memref<128x128xf32, #tpu.memory_space<vmem>>, vector<16xf32>,
      %swap3A_55 = arith.index_cast %add3A_37 : i32 to index
      %swap3A_56 = arith.constant 96 : index
      %swap3A_57 = tpu.vector_load %arg10[%swap3A_55, %swap3A_56] {strides = array<i32>} : memref<128x128xf32, #tpu.memory_space<vmem>>, vector<16xf32>,
      tpu.vector_store %arg10[%swap3A_55, %swap3A_56], %broadcast_in_dim3A_0 {strides = array<i32>} : memref<128x128xf32, #tpu.memory_space<vmem>>, vector<16xf32>,
      %swap3A_58 = arith.index_cast %add3A_37 : i32 to index
      %swap3A_59 = arith.constant 112 : index
      %swap3A_60 = tpu.vector_load %arg10[%swap3A_58, %swap3A_59] {strides = array<i32>} : memref<128x128xf32, #tpu.memory_space<vmem>>, vector<16xf32>,
      tpu.vector_store %arg10[%swap3A_58, %swap3A_59], %broadcast_in_dim3A_0 {strides = array<i32>} : memref<128x128xf32, #tpu.memory_space<vmem>>, vector<16xf32>,
    }
    %scan3A_4 = arith.constant 128 : i32
    %mul3A = arith.constant 640 : i32
    %mul3A_5 = arith.muli %arg1, %mul3A : i32
    %add3A = arith.constant 0 : i32
    %add3A_6 = arith.addi %mul3A_5, %add3A : i32
    "tpu.region"() ({
      %run_scoped3A = tpu.sem_alloc : memref<!tpu.dma_semaphore, #tpu.memory_space<semaphore_mem>>
      %dma_start3A = arith.constant 0 : i32
      %dma_start3A_33 = tpu.memref_slice %arg11[%add3A_6, %dma_start3A] : memref<10240x128xf32, #tpu.memory_space<vmem_shared>> -> memref<128x128xf32, #tpu.memory_space<vmem_shared>>
      %dma_start3A_34 = arith.constant 0 : i32
      %dma_start3A_35 = tpu.memref_slice %arg11[%add3A_6, %dma_start3A_34] : memref<10240x128xf32, #tpu.memory_space<vmem_shared>> -> memref<128x128xf32, #tpu.memory_space<vmem_shared>>
      tpu.enqueue_dma source(%arg10 : memref<128x128xf32, #tpu.memory_space<vmem>>) target(%dma_start3A_35 : memref<128x128xf32, #tpu.memory_space<vmem_shared>>) target_semaphore(%run_scoped3A : memref<!tpu.dma_semaphore, #tpu.memory_space<semaphore_mem>>)
      %dma_wait3A = arith.constant 0 : i32
      %dma_wait3A_36 = tpu.memref_slice %arg11[%add3A_6, %dma_wait3A] : memref<10240x128xf32, #tpu.memory_space<vmem_shared>> -> memref<128x128xf32, #tpu.memory_space<vmem_shared>>
      %dma_wait3A_37 = arith.constant 0 : i32
      %dma_wait3A_38 = tpu.memref_slice %arg11[%add3A_6, %dma_wait3A_37] : memref<10240x128xf32, #tpu.memory_space<vmem_shared>> -> memref<128x128xf32, #tpu.memory_space<vmem_shared>>
      tpu.wait_dma2 semaphore(%run_scoped3A : memref<!tpu.dma_semaphore, #tpu.memory_space<semaphore_mem>>) src(%arg10 : memref<128x128xf32, #tpu.memory_space<vmem>>) dst(%dma_wait3A_38 : memref<128x128xf32, #tpu.memory_space<vmem_shared>>)
      tpu.yield
    }) : () -> ()
    %mul3A_7 = arith.constant 640 : i32
    %mul3A_8 = arith.muli %arg1, %mul3A_7 : i32
    %add3A_9 = arith.constant 128 : i32
    %add3A_10 = arith.addi %mul3A_8, %add3A_9 : i32
    "tpu.region"() ({
      %run_scoped3A = tpu.sem_alloc : memref<!tpu.dma_semaphore, #tpu.memory_space<semaphore_mem>>
      %dma_start3A = arith.constant 0 : i32
      %dma_start3A_33 = tpu.memref_slice %arg11[%add3A_10, %dma_start3A] : memref<10240x128xf32, #tpu.memory_space<vmem_shared>> -> memref<128x128xf32, #tpu.memory_space<vmem_shared>>
      %dma_start3A_34 = arith.constant 0 : i32
      %dma_start3A_35 = tpu.memref_slice %arg11[%add3A_10, %dma_start3A_34] : memref<10240x128xf32, #tpu.memory_space<vmem_shared>> -> memref<128x128xf32, #tpu.memory_space<vmem_shared>>
      tpu.enqueue_dma source(%arg10 : memref<128x128xf32, #tpu.memory_space<vmem>>) target(%dma_start3A_35 : memref<128x128xf32, #tpu.memory_space<vmem_shared>>) target_semaphore(%run_scoped3A : memref<!tpu.dma_semaphore, #tpu.memory_space<semaphore_mem>>)
      %dma_wait3A = arith.constant 0 : i32
      %dma_wait3A_36 = tpu.memref_slice %arg11[%add3A_10, %dma_wait3A] : memref<10240x128xf32, #tpu.memory_space<vmem_shared>> -> memref<128x128xf32, #tpu.memory_space<vmem_shared>>
      %dma_wait3A_37 = arith.constant 0 : i32
      %dma_wait3A_38 = tpu.memref_slice %arg11[%add3A_10, %dma_wait3A_37] : memref<10240x128xf32, #tpu.memory_space<vmem_shared>> -> memref<128x128xf32, #tpu.memory_space<vmem_shared>>
      tpu.wait_dma2 semaphore(%run_scoped3A : memref<!tpu.dma_semaphore, #tpu.memory_space<semaphore_mem>>) src(%arg10 : memref<128x128xf32, #tpu.memory_space<vmem>>) dst(%dma_wait3A_38 : memref<128x128xf32, #tpu.memory_space<vmem_shared>>)
      tpu.yield
    }) : () -> ()
    %mul3A_11 = arith.constant 640 : i32
    %mul3A_12 = arith.muli %arg1, %mul3A_11 : i32
    %add3A_13 = arith.constant 256 : i32
    %add3A_14 = arith.addi %mul3A_12, %add3A_13 : i32
    "tpu.region"() ({
      %run_scoped3A = tpu.sem_alloc : memref<!tpu.dma_semaphore, #tpu.memory_space<semaphore_mem>>
      %dma_start3A = arith.constant 0 : i32
      %dma_start3A_33 = tpu.memref_slice %arg11[%add3A_14, %dma_start3A] : memref<10240x128xf32, #tpu.memory_space<vmem_shared>> -> memref<128x128xf32, #tpu.memory_space<vmem_shared>>
      %dma_start3A_34 = arith.constant 0 : i32
      %dma_start3A_35 = tpu.memref_slice %arg11[%add3A_14, %dma_start3A_34] : memref<10240x128xf32, #tpu.memory_space<vmem_shared>> -> memref<128x128xf32, #tpu.memory_space<vmem_shared>>
      tpu.enqueue_dma source(%arg10 : memref<128x128xf32, #tpu.memory_space<vmem>>) target(%dma_start3A_35 : memref<128x128xf32, #tpu.memory_space<vmem_shared>>) target_semaphore(%run_scoped3A : memref<!tpu.dma_semaphore, #tpu.memory_space<semaphore_mem>>)
      %dma_wait3A = arith.constant 0 : i32
      %dma_wait3A_36 = tpu.memref_slice %arg11[%add3A_14, %dma_wait3A] : memref<10240x128xf32, #tpu.memory_space<vmem_shared>> -> memref<128x128xf32, #tpu.memory_space<vmem_shared>>
      %dma_wait3A_37 = arith.constant 0 : i32
      %dma_wait3A_38 = tpu.memref_slice %arg11[%add3A_14, %dma_wait3A_37] : memref<10240x128xf32, #tpu.memory_space<vmem_shared>> -> memref<128x128xf32, #tpu.memory_space<vmem_shared>>
      tpu.wait_dma2 semaphore(%run_scoped3A : memref<!tpu.dma_semaphore, #tpu.memory_space<semaphore_mem>>) src(%arg10 : memref<128x128xf32, #tpu.memory_space<vmem>>) dst(%dma_wait3A_38 : memref<128x128xf32, #tpu.memory_space<vmem_shared>>)
      tpu.yield
    }) : () -> ()
    %mul3A_15 = arith.constant 640 : i32
    %mul3A_16 = arith.muli %arg1, %mul3A_15 : i32
    %add3A_17 = arith.constant 384 : i32
    %add3A_18 = arith.addi %mul3A_16, %add3A_17 : i32
    "tpu.region"() ({
      %run_scoped3A = tpu.sem_alloc : memref<!tpu.dma_semaphore, #tpu.memory_space<semaphore_mem>>
      %dma_start3A = arith.constant 0 : i32
      %dma_start3A_33 = tpu.memref_slice %arg11[%add3A_18, %dma_start3A] : memref<10240x128xf32, #tpu.memory_space<vmem_shared>> -> memref<128x128xf32, #tpu.memory_space<vmem_shared>>
      %dma_start3A_34 = arith.constant 0 : i32
      %dma_start3A_35 = tpu.memref_slice %arg11[%add3A_18, %dma_start3A_34] : memref<10240x128xf32, #tpu.memory_space<vmem_shared>> -> memref<128x128xf32, #tpu.memory_space<vmem_shared>>
      tpu.enqueue_dma source(%arg10 : memref<128x128xf32, #tpu.memory_space<vmem>>) target(%dma_start3A_35 : memref<128x128xf32, #tpu.memory_space<vmem_shared>>) target_semaphore(%run_scoped3A : memref<!tpu.dma_semaphore, #tpu.memory_space<semaphore_mem>>)
      %dma_wait3A = arith.constant 0 : i32
      %dma_wait3A_36 = tpu.memref_slice %arg11[%add3A_18, %dma_wait3A] : memref<10240x128xf32, #tpu.memory_space<vmem_shared>> -> memref<128x128xf32, #tpu.memory_space<vmem_shared>>
      %dma_wait3A_37 = arith.constant 0 : i32
      %dma_wait3A_38 = tpu.memref_slice %arg11[%add3A_18, %dma_wait3A_37] : memref<10240x128xf32, #tpu.memory_space<vmem_shared>> -> memref<128x128xf32, #tpu.memory_space<vmem_shared>>
      tpu.wait_dma2 semaphore(%run_scoped3A : memref<!tpu.dma_semaphore, #tpu.memory_space<semaphore_mem>>) src(%arg10 : memref<128x128xf32, #tpu.memory_space<vmem>>) dst(%dma_wait3A_38 : memref<128x128xf32, #tpu.memory_space<vmem_shared>>)
      tpu.yield
    }) : () -> ()
    %mul3A_19 = arith.constant 640 : i32
    %mul3A_20 = arith.muli %arg1, %mul3A_19 : i32
    %add3A_21 = arith.constant 512 : i32
    %add3A_22 = arith.addi %mul3A_20, %add3A_21 : i32
    "tpu.region"() ({
      %run_scoped3A = tpu.sem_alloc : memref<!tpu.dma_semaphore, #tpu.memory_space<semaphore_mem>>
      %dma_start3A = arith.constant 0 : i32
      %dma_start3A_33 = tpu.memref_slice %arg11[%add3A_22, %dma_start3A] : memref<10240x128xf32, #tpu.memory_space<vmem_shared>> -> memref<128x128xf32, #tpu.memory_space<vmem_shared>>
      %dma_start3A_34 = arith.constant 0 : i32
      %dma_start3A_35 = tpu.memref_slice %arg11[%add3A_22, %dma_start3A_34] : memref<10240x128xf32, #tpu.memory_space<vmem_shared>> -> memref<128x128xf32, #tpu.memory_space<vmem_shared>>
      tpu.enqueue_dma source(%arg10 : memref<128x128xf32, #tpu.memory_space<vmem>>) target(%dma_start3A_35 : memref<128x128xf32, #tpu.memory_space<vmem_shared>>) target_semaphore(%run_scoped3A : memref<!tpu.dma_semaphore, #tpu.memory_space<semaphore_mem>>)
      %dma_wait3A = arith.constant 0 : i32
      %dma_wait3A_36 = tpu.memref_slice %arg11[%add3A_22, %dma_wait3A] : memref<10240x128xf32, #tpu.memory_space<vmem_shared>> -> memref<128x128xf32, #tpu.memory_space<vmem_shared>>
      %dma_wait3A_37 = arith.constant 0 : i32
      %dma_wait3A_38 = tpu.memref_slice %arg11[%add3A_22, %dma_wait3A_37] : memref<10240x128xf32, #tpu.memory_space<vmem_shared>> -> memref<128x128xf32, #tpu.memory_space<vmem_shared>>
      tpu.wait_dma2 semaphore(%run_scoped3A : memref<!tpu.dma_semaphore, #tpu.memory_space<semaphore_mem>>) src(%arg10 : memref<128x128xf32, #tpu.memory_space<vmem>>) dst(%dma_wait3A_38 : memref<128x128xf32, #tpu.memory_space<vmem_shared>>)
      tpu.yield
    }) : () -> ()
    %barrier3A = arith.constant 0 : index
    tpu.barrier barrier_id(%barrier3A)
    %scan3A_23 = arith.constant 0 : i32
    %scan3A_24 = arith.constant 5 : i32
    %scan3A_25 = arith.addi %scan3A_23, %scan3A_24 : i32
    %scan3A_26 = arith.constant 1 : i32
    scf.for %scan3A_33 = %scan3A_23 to %scan3A_25 step %scan3A_26  : i32 {
      %mul3A_34 = arith.constant 1 : i32
      %mul3A_35 = arith.muli %scan3A_33, %mul3A_34 : i32
      %add3A_36 = arith.constant 0 : i32
      %add3A_37 = arith.addi %add3A_36, %mul3A_35 : i32
      "tpu.region"() ({
        %run_scoped3A = tpu.sem_alloc : memref<!tpu.dma_semaphore, #tpu.memory_space<semaphore_mem>>
        %dma_start3A = arith.constant 0 : i32
        %dma_start3A_43 = arith.constant 0 : i32
        %dma_start3A_44 = arith.constant 0 : i32
        %dma_start3A_45 = tpu.memref_slice %arg3[%arg1, %dma_start3A, %dma_start3A_43, %dma_start3A_44] : memref<16x5x16x128xi32, #tpu.memory_space<hbm>> -> memref<1x5x16x128xi32, #tpu.memory_space<hbm>>
        %dma_start3A_46 = tpu.memref_squeeze %dma_start3A_45 : memref<1x5x16x128xi32, #tpu.memory_space<hbm>> -> memref<5x16x128xi32, #tpu.memory_space<hbm>>
        %dma_start3A_47 = arith.constant 0 : i32
        %dma_start3A_48 = arith.constant 0 : i32
        %dma_start3A_49 = tpu.memref_slice %dma_start3A_46[%add3A_37, %dma_start3A_47, %dma_start3A_48] : memref<5x16x128xi32, #tpu.memory_space<hbm>> -> memref<1x16x128xi32, #tpu.memory_space<hbm>>
        %dma_start3A_50 = tpu.memref_squeeze %dma_start3A_49 : memref<1x16x128xi32, #tpu.memory_space<hbm>> -> memref<16x128xi32, #tpu.memory_space<hbm>>
        %dma_start3A_51 = arith.constant 0 : i32
        %dma_start3A_52 = arith.constant 0 : i32
        %dma_start3A_53 = arith.constant 0 : i32
        %dma_start3A_54 = tpu.memref_slice %arg3[%arg1, %dma_start3A_51, %dma_start3A_52, %dma_start3A_53] : memref<16x5x16x128xi32, #tpu.memory_space<hbm>> -> memref<1x5x16x128xi32, #tpu.memory_space<hbm>>
        %dma_start3A_55 = tpu.memref_squeeze %dma_start3A_54 : memref<1x5x16x128xi32, #tpu.memory_space<hbm>> -> memref<5x16x128xi32, #tpu.memory_space<hbm>>
        %dma_start3A_56 = arith.constant 0 : i32
        %dma_start3A_57 = arith.constant 0 : i32
        %dma_start3A_58 = tpu.memref_slice %dma_start3A_55[%add3A_37, %dma_start3A_56, %dma_start3A_57] : memref<5x16x128xi32, #tpu.memory_space<hbm>> -> memref<1x16x128xi32, #tpu.memory_space<hbm>>
        %dma_start3A_59 = tpu.memref_squeeze %dma_start3A_58 : memref<1x16x128xi32, #tpu.memory_space<hbm>> -> memref<16x128xi32, #tpu.memory_space<hbm>>
        tpu.enqueue_dma source(%dma_start3A_59 : memref<16x128xi32, #tpu.memory_space<hbm>>) target(%arg7 : memref<16x128xi32, #tpu.memory_space<vmem>>) target_semaphore(%run_scoped3A : memref<!tpu.dma_semaphore, #tpu.memory_space<semaphore_mem>>)
        %dma_wait3A = arith.constant 0 : i32
        %dma_wait3A_60 = arith.constant 0 : i32
        %dma_wait3A_61 = arith.constant 0 : i32
        %dma_wait3A_62 = tpu.memref_slice %arg3[%arg1, %dma_wait3A, %dma_wait3A_60, %dma_wait3A_61] : memref<16x5x16x128xi32, #tpu.memory_space<hbm>> -> memref<1x5x16x128xi32, #tpu.memory_space<hbm>>
        %dma_wait3A_63 = tpu.memref_squeeze %dma_wait3A_62 : memref<1x5x16x128xi32, #tpu.memory_space<hbm>> -> memref<5x16x128xi32, #tpu.memory_space<hbm>>
        %dma_wait3A_64 = arith.constant 0 : i32
        %dma_wait3A_65 = arith.constant 0 : i32
        %dma_wait3A_66 = tpu.memref_slice %dma_wait3A_63[%add3A_37, %dma_wait3A_64, %dma_wait3A_65] : memref<5x16x128xi32, #tpu.memory_space<hbm>> -> memref<1x16x128xi32, #tpu.memory_space<hbm>>
        %dma_wait3A_67 = tpu.memref_squeeze %dma_wait3A_66 : memref<1x16x128xi32, #tpu.memory_space<hbm>> -> memref<16x128xi32, #tpu.memory_space<hbm>>
        %dma_wait3A_68 = arith.constant 0 : i32
        %dma_wait3A_69 = arith.constant 0 : i32
        %dma_wait3A_70 = arith.constant 0 : i32
        %dma_wait3A_71 = tpu.memref_slice %arg3[%arg1, %dma_wait3A_68, %dma_wait3A_69, %dma_wait3A_70] : memref<16x5x16x128xi32, #tpu.memory_space<hbm>> -> memref<1x5x16x128xi32, #tpu.memory_space<hbm>>
        %dma_wait3A_72 = tpu.memref_squeeze %dma_wait3A_71 : memref<1x5x16x128xi32, #tpu.memory_space<hbm>> -> memref<5x16x128xi32, #tpu.memory_space<hbm>>
        %dma_wait3A_73 = arith.constant 0 : i32
        %dma_wait3A_74 = arith.constant 0 : i32
        %dma_wait3A_75 = tpu.memref_slice %dma_wait3A_72[%add3A_37, %dma_wait3A_73, %dma_wait3A_74] : memref<5x16x128xi32, #tpu.memory_space<hbm>> -> memref<1x16x128xi32, #tpu.memory_space<hbm>>
        %dma_wait3A_76 = tpu.memref_squeeze %dma_wait3A_75 : memref<1x16x128xi32, #tpu.memory_space<hbm>> -> memref<16x128xi32, #tpu.memory_space<hbm>>
        tpu.wait_dma2 semaphore(%run_scoped3A : memref<!tpu.dma_semaphore, #tpu.memory_space<semaphore_mem>>) src(%dma_wait3A_76 : memref<16x128xi32, #tpu.memory_space<hbm>>) dst(%arg7 : memref<16x128xi32, #tpu.memory_space<vmem>>)
        tpu.yield
      }) : () -> ()
      "tpu.region"() ({
        %run_scoped3A = tpu.sem_alloc : memref<!tpu.dma_semaphore, #tpu.memory_space<semaphore_mem>>
        %dma_start3A = arith.constant 0 : i32
        %dma_start3A_43 = arith.constant 0 : i32
        %dma_start3A_44 = arith.constant 0 : i32
        %dma_start3A_45 = tpu.memref_slice %arg4[%arg1, %dma_start3A, %dma_start3A_43, %dma_start3A_44] : memref<16x5x16x128xi32, #tpu.memory_space<hbm>> -> memref<1x5x16x128xi32, #tpu.memory_space<hbm>>
        %dma_start3A_46 = tpu.memref_squeeze %dma_start3A_45 : memref<1x5x16x128xi32, #tpu.memory_space<hbm>> -> memref<5x16x128xi32, #tpu.memory_space<hbm>>
        %dma_start3A_47 = arith.constant 0 : i32
        %dma_start3A_48 = arith.constant 0 : i32
        %dma_start3A_49 = tpu.memref_slice %dma_start3A_46[%add3A_37, %dma_start3A_47, %dma_start3A_48] : memref<5x16x128xi32, #tpu.memory_space<hbm>> -> memref<1x16x128xi32, #tpu.memory_space<hbm>>
        %dma_start3A_50 = tpu.memref_squeeze %dma_start3A_49 : memref<1x16x128xi32, #tpu.memory_space<hbm>> -> memref<16x128xi32, #tpu.memory_space<hbm>>
        %dma_start3A_51 = arith.constant 0 : i32
        %dma_start3A_52 = arith.constant 0 : i32
        %dma_start3A_53 = arith.constant 0 : i32
        %dma_start3A_54 = tpu.memref_slice %arg4[%arg1, %dma_start3A_51, %dma_start3A_52, %dma_start3A_53] : memref<16x5x16x128xi32, #tpu.memory_space<hbm>> -> memref<1x5x16x128xi32, #tpu.memory_space<hbm>>
        %dma_start3A_55 = tpu.memref_squeeze %dma_start3A_54 : memref<1x5x16x128xi32, #tpu.memory_space<hbm>> -> memref<5x16x128xi32, #tpu.memory_space<hbm>>
        %dma_start3A_56 = arith.constant 0 : i32
        %dma_start3A_57 = arith.constant 0 : i32
        %dma_start3A_58 = tpu.memref_slice %dma_start3A_55[%add3A_37, %dma_start3A_56, %dma_start3A_57] : memref<5x16x128xi32, #tpu.memory_space<hbm>> -> memref<1x16x128xi32, #tpu.memory_space<hbm>>
        %dma_start3A_59 = tpu.memref_squeeze %dma_start3A_58 : memref<1x16x128xi32, #tpu.memory_space<hbm>> -> memref<16x128xi32, #tpu.memory_space<hbm>>
        tpu.enqueue_dma source(%dma_start3A_59 : memref<16x128xi32, #tpu.memory_space<hbm>>) target(%arg8 : memref<16x128xi32, #tpu.memory_space<vmem>>) target_semaphore(%run_scoped3A : memref<!tpu.dma_semaphore, #tpu.memory_space<semaphore_mem>>)
        %dma_wait3A = arith.constant 0 : i32
        %dma_wait3A_60 = arith.constant 0 : i32
        %dma_wait3A_61 = arith.constant 0 : i32
        %dma_wait3A_62 = tpu.memref_slice %arg4[%arg1, %dma_wait3A, %dma_wait3A_60, %dma_wait3A_61] : memref<16x5x16x128xi32, #tpu.memory_space<hbm>> -> memref<1x5x16x128xi32, #tpu.memory_space<hbm>>
        %dma_wait3A_63 = tpu.memref_squeeze %dma_wait3A_62 : memref<1x5x16x128xi32, #tpu.memory_space<hbm>> -> memref<5x16x128xi32, #tpu.memory_space<hbm>>
        %dma_wait3A_64 = arith.constant 0 : i32
        %dma_wait3A_65 = arith.constant 0 : i32
        %dma_wait3A_66 = tpu.memref_slice %dma_wait3A_63[%add3A_37, %dma_wait3A_64, %dma_wait3A_65] : memref<5x16x128xi32, #tpu.memory_space<hbm>> -> memref<1x16x128xi32, #tpu.memory_space<hbm>>
        %dma_wait3A_67 = tpu.memref_squeeze %dma_wait3A_66 : memref<1x16x128xi32, #tpu.memory_space<hbm>> -> memref<16x128xi32, #tpu.memory_space<hbm>>
        %dma_wait3A_68 = arith.constant 0 : i32
        %dma_wait3A_69 = arith.constant 0 : i32
        %dma_wait3A_70 = arith.constant 0 : i32
        %dma_wait3A_71 = tpu.memref_slice %arg4[%arg1, %dma_wait3A_68, %dma_wait3A_69, %dma_wait3A_70] : memref<16x5x16x128xi32, #tpu.memory_space<hbm>> -> memref<1x5x16x128xi32, #tpu.memory_space<hbm>>
        %dma_wait3A_72 = tpu.memref_squeeze %dma_wait3A_71 : memref<1x5x16x128xi32, #tpu.memory_space<hbm>> -> memref<5x16x128xi32, #tpu.memory_space<hbm>>
        %dma_wait3A_73 = arith.constant 0 : i32
        %dma_wait3A_74 = arith.constant 0 : i32
        %dma_wait3A_75 = tpu.memref_slice %dma_wait3A_72[%add3A_37, %dma_wait3A_73, %dma_wait3A_74] : memref<5x16x128xi32, #tpu.memory_space<hbm>> -> memref<1x16x128xi32, #tpu.memory_space<hbm>>
        %dma_wait3A_76 = tpu.memref_squeeze %dma_wait3A_75 : memref<1x16x128xi32, #tpu.memory_space<hbm>> -> memref<16x128xi32, #tpu.memory_space<hbm>>
        tpu.wait_dma2 semaphore(%run_scoped3A : memref<!tpu.dma_semaphore, #tpu.memory_space<semaphore_mem>>) src(%dma_wait3A_76 : memref<16x128xi32, #tpu.memory_space<hbm>>) dst(%arg8 : memref<16x128xi32, #tpu.memory_space<vmem>>)
        tpu.yield
      }) : () -> ()
      "tpu.region"() ({
        %run_scoped3A = tpu.sem_alloc : memref<!tpu.dma_semaphore, #tpu.memory_space<semaphore_mem>>
        %dma_start3A = arith.constant 0 : i32
        %dma_start3A_43 = arith.constant 0 : i32
        %dma_start3A_44 = arith.constant 0 : i32
        %dma_start3A_45 = tpu.memref_slice %arg5[%arg1, %dma_start3A, %dma_start3A_43, %dma_start3A_44] : memref<16x5x16x128xf32, #tpu.memory_space<hbm>> -> memref<1x5x16x128xf32, #tpu.memory_space<hbm>>
        %dma_start3A_46 = tpu.memref_squeeze %dma_start3A_45 : memref<1x5x16x128xf32, #tpu.memory_space<hbm>> -> memref<5x16x128xf32, #tpu.memory_space<hbm>>
        %dma_start3A_47 = arith.constant 0 : i32
        %dma_start3A_48 = arith.constant 0 : i32
        %dma_start3A_49 = tpu.memref_slice %dma_start3A_46[%add3A_37, %dma_start3A_47, %dma_start3A_48] : memref<5x16x128xf32, #tpu.memory_space<hbm>> -> memref<1x16x128xf32, #tpu.memory_space<hbm>>
        %dma_start3A_50 = tpu.memref_squeeze %dma_start3A_49 : memref<1x16x128xf32, #tpu.memory_space<hbm>> -> memref<16x128xf32, #tpu.memory_space<hbm>>
        %dma_start3A_51 = arith.constant 0 : i32
        %dma_start3A_52 = arith.constant 0 : i32
        %dma_start3A_53 = arith.constant 0 : i32
        %dma_start3A_54 = tpu.memref_slice %arg5[%arg1, %dma_start3A_51, %dma_start3A_52, %dma_start3A_53] : memref<16x5x16x128xf32, #tpu.memory_space<hbm>> -> memref<1x5x16x128xf32, #tpu.memory_space<hbm>>
        %dma_start3A_55 = tpu.memref_squeeze %dma_start3A_54 : memref<1x5x16x128xf32, #tpu.memory_space<hbm>> -> memref<5x16x128xf32, #tpu.memory_space<hbm>>
        %dma_start3A_56 = arith.constant 0 : i32
        %dma_start3A_57 = arith.constant 0 : i32
        %dma_start3A_58 = tpu.memref_slice %dma_start3A_55[%add3A_37, %dma_start3A_56, %dma_start3A_57] : memref<5x16x128xf32, #tpu.memory_space<hbm>> -> memref<1x16x128xf32, #tpu.memory_space<hbm>>
        %dma_start3A_59 = tpu.memref_squeeze %dma_start3A_58 : memref<1x16x128xf32, #tpu.memory_space<hbm>> -> memref<16x128xf32, #tpu.memory_space<hbm>>
        tpu.enqueue_dma source(%dma_start3A_59 : memref<16x128xf32, #tpu.memory_space<hbm>>) target(%arg9 : memref<16x128xf32, #tpu.memory_space<vmem>>) target_semaphore(%run_scoped3A : memref<!tpu.dma_semaphore, #tpu.memory_space<semaphore_mem>>)
        %dma_wait3A = arith.constant 0 : i32
        %dma_wait3A_60 = arith.constant 0 : i32
        %dma_wait3A_61 = arith.constant 0 : i32
        %dma_wait3A_62 = tpu.memref_slice %arg5[%arg1, %dma_wait3A, %dma_wait3A_60, %dma_wait3A_61] : memref<16x5x16x128xf32, #tpu.memory_space<hbm>> -> memref<1x5x16x128xf32, #tpu.memory_space<hbm>>
        %dma_wait3A_63 = tpu.memref_squeeze %dma_wait3A_62 : memref<1x5x16x128xf32, #tpu.memory_space<hbm>> -> memref<5x16x128xf32, #tpu.memory_space<hbm>>
        %dma_wait3A_64 = arith.constant 0 : i32
        %dma_wait3A_65 = arith.constant 0 : i32
        %dma_wait3A_66 = tpu.memref_slice %dma_wait3A_63[%add3A_37, %dma_wait3A_64, %dma_wait3A_65] : memref<5x16x128xf32, #tpu.memory_space<hbm>> -> memref<1x16x128xf32, #tpu.memory_space<hbm>>
        %dma_wait3A_67 = tpu.memref_squeeze %dma_wait3A_66 : memref<1x16x128xf32, #tpu.memory_space<hbm>> -> memref<16x128xf32, #tpu.memory_space<hbm>>
        %dma_wait3A_68 = arith.constant 0 : i32
        %dma_wait3A_69 = arith.constant 0 : i32
        %dma_wait3A_70 = arith.constant 0 : i32
        %dma_wait3A_71 = tpu.memref_slice %arg5[%arg1, %dma_wait3A_68, %dma_wait3A_69, %dma_wait3A_70] : memref<16x5x16x128xf32, #tpu.memory_space<hbm>> -> memref<1x5x16x128xf32, #tpu.memory_space<hbm>>
        %dma_wait3A_72 = tpu.memref_squeeze %dma_wait3A_71 : memref<1x5x16x128xf32, #tpu.memory_space<hbm>> -> memref<5x16x128xf32, #tpu.memory_space<hbm>>
        %dma_wait3A_73 = arith.constant 0 : i32
        %dma_wait3A_74 = arith.constant 0 : i32
        %dma_wait3A_75 = tpu.memref_slice %dma_wait3A_72[%add3A_37, %dma_wait3A_73, %dma_wait3A_74] : memref<5x16x128xf32, #tpu.memory_space<hbm>> -> memref<1x16x128xf32, #tpu.memory_space<hbm>>
        %dma_wait3A_76 = tpu.memref_squeeze %dma_wait3A_75 : memref<1x16x128xf32, #tpu.memory_space<hbm>> -> memref<16x128xf32, #tpu.memory_space<hbm>>
        tpu.wait_dma2 semaphore(%run_scoped3A : memref<!tpu.dma_semaphore, #tpu.memory_space<semaphore_mem>>) src(%dma_wait3A_76 : memref<16x128xf32, #tpu.memory_space<hbm>>) dst(%arg9 : memref<16x128xf32, #tpu.memory_space<vmem>>)
        tpu.yield
      }) : () -> ()
      %scan3A_38 = arith.constant 0 : i32
      %scan3A_39 = arith.constant 16 : i32
      %scan3A_40 = arith.addi %scan3A_38, %scan3A_39 : i32
      %scan3A_41 = arith.constant 1 : i32
      scf.for %scan3A_43 = %scan3A_38 to %scan3A_40 step %scan3A_41  : i32 {
        %mul3A_44 = arith.constant 1 : i32
        %mul3A_45 = arith.muli %scan3A_43, %mul3A_44 : i32
        %add3A_46 = arith.constant 0 : i32
        %add3A_47 = arith.addi %add3A_46, %mul3A_45 : i32
        "tpu.region"() ({
          %run_scoped3A = tpu.sem_alloc : memref<!tpu.dma_semaphore, #tpu.memory_space<semaphore_mem>>
          %dma_start3A = arith.constant 0 : i32
          %dma_start3A_53 = tpu.memref_slice %arg7[%add3A_47, %dma_start3A] : memref<16x128xi32, #tpu.memory_space<vmem>> -> memref<1x128xi32, #tpu.memory_space<vmem>>
          %dma_start3A_54 = tpu.memref_squeeze %dma_start3A_53 : memref<1x128xi32, #tpu.memory_space<vmem>> -> memref<128xi32, #tpu.memory_space<vmem>>
          %dma_start3A_55 = arith.constant 0 : i32
          %dma_start3A_56 = arith.constant 0 : i32
          %dma_start3A_57 = tpu.memref_slice %arg2[%arg0, %dma_start3A_55, %dma_start3A_56] : memref<2x10240x128xf32, #tpu.memory_space<hbm>> -> memref<1x10240x128xf32, #tpu.memory_space<hbm>>
          %dma_start3A_58 = tpu.memref_squeeze %dma_start3A_57 : memref<1x10240x128xf32, #tpu.memory_space<hbm>> -> memref<10240x128xf32, #tpu.memory_space<hbm>>
          %dma_start3A_59 = arith.constant 0 : i32
          %dma_start3A_60 = arith.constant 0 : i32
          %dma_start3A_61 = tpu.memref_slice %dma_start3A_58[%dma_start3A_59, %dma_start3A_60] : memref<10240x128xf32, #tpu.memory_space<hbm>> -> memref<10240x128xf32, #tpu.memory_space<hbm>>
          tpu.enqueue_indirect_dma source(%dma_start3A_61 : memref<10240x128xf32, #tpu.memory_space<hbm>>) target(%arg10 : memref<128x128xf32, #tpu.memory_space<vmem>>) offsets(%dma_start3A_54 : memref<128xi32, #tpu.memory_space<vmem>>) semaphore(%run_scoped3A : memref<!tpu.dma_semaphore, #tpu.memory_space<semaphore_mem>>)
          %dma_wait3A = arith.constant 0 : i32
          %dma_wait3A_62 = tpu.memref_slice %arg7[%add3A_47, %dma_wait3A] : memref<16x128xi32, #tpu.memory_space<vmem>> -> memref<1x128xi32, #tpu.memory_space<vmem>>
          %dma_wait3A_63 = tpu.memref_squeeze %dma_wait3A_62 : memref<1x128xi32, #tpu.memory_space<vmem>> -> memref<128xi32, #tpu.memory_space<vmem>>
          %dma_wait3A_64 = arith.constant 0 : i32
          %dma_wait3A_65 = arith.constant 0 : i32
          %dma_wait3A_66 = tpu.memref_slice %arg2[%arg0, %dma_wait3A_64, %dma_wait3A_65] : memref<2x10240x128xf32, #tpu.memory_space<hbm>> -> memref<1x10240x128xf32, #tpu.memory_space<hbm>>
          %dma_wait3A_67 = tpu.memref_squeeze %dma_wait3A_66 : memref<1x10240x128xf32, #tpu.memory_space<hbm>> -> memref<10240x128xf32, #tpu.memory_space<hbm>>
          %dma_wait3A_68 = arith.constant 0 : i32
          %dma_wait3A_69 = arith.constant 0 : i32
          %dma_wait3A_70 = tpu.memref_slice %dma_wait3A_67[%dma_wait3A_68, %dma_wait3A_69] : memref<10240x128xf32, #tpu.memory_space<hbm>> -> memref<10240x128xf32, #tpu.memory_space<hbm>>
          tpu.wait_indirect_dma semaphore(%run_scoped3A : memref<!tpu.dma_semaphore, #tpu.memory_space<semaphore_mem>>) src(%dma_wait3A_70 : memref<10240x128xf32, #tpu.memory_space<hbm>>) dst(%arg10 : memref<128x128xf32, #tpu.memory_space<vmem>>)
          tpu.yield
        }) : () -> ()
        %scan3A_48 = arith.constant 0 : i32
        %scan3A_49 = arith.constant 128 : i32
        %scan3A_50 = arith.addi %scan3A_48, %scan3A_49 : i32
        %scan3A_51 = arith.constant 1 : i32
        scf.for %scan3A_53 = %scan3A_48 to %scan3A_50 step %scan3A_51  : i32 {
          %mul3A_54 = arith.constant 1 : i32
          %mul3A_55 = arith.muli %scan3A_53, %mul3A_54 : i32
          %add3A_56 = arith.constant 0 : i32
          %add3A_57 = arith.addi %add3A_56, %mul3A_55 : i32
          %broadcast_in_dim3A_58 = vector.broadcast %add3A_47 : i32 to vector<16xi32>
          %broadcast_in_dim3A_59 = vector.broadcast %add3A_57 : i32 to vector<16xi32>
          %gather3A = tpu.vector_load_idx %arg9[%broadcast_in_dim3A_58, %broadcast_in_dim3A_59] : memref<16x128xf32, #tpu.memory_space<vmem>>[vector<16xi32>, vector<16xi32>], vector<16xf32>,
          %get3A = arith.index_cast %add3A_57 : i32 to index
          %get3A_60 = arith.constant 0 : index
          %get3A_61 = tpu.vector_load %arg10[%get3A, %get3A_60] {strides = array<i32>} : memref<128x128xf32, #tpu.memory_space<vmem>>, vector<16xf32>,
          %mul3A_62 = arith.mulf %get3A_61, %gather3A : vector<16xf32>
          %swap3A = arith.index_cast %add3A_57 : i32 to index
          %swap3A_63 = arith.constant 0 : index
          %swap3A_64 = tpu.vector_load %arg10[%swap3A, %swap3A_63] {strides = array<i32>} : memref<128x128xf32, #tpu.memory_space<vmem>>, vector<16xf32>,
          tpu.vector_store %arg10[%swap3A, %swap3A_63], %mul3A_62 {strides = array<i32>} : memref<128x128xf32, #tpu.memory_space<vmem>>, vector<16xf32>,
          %get3A_65 = arith.index_cast %add3A_57 : i32 to index
          %get3A_66 = arith.constant 16 : index
          %get3A_67 = tpu.vector_load %arg10[%get3A_65, %get3A_66] {strides = array<i32>} : memref<128x128xf32, #tpu.memory_space<vmem>>, vector<16xf32>,
          %mul3A_68 = arith.mulf %get3A_67, %gather3A : vector<16xf32>
          %swap3A_69 = arith.index_cast %add3A_57 : i32 to index
          %swap3A_70 = arith.constant 16 : index
          %swap3A_71 = tpu.vector_load %arg10[%swap3A_69, %swap3A_70] {strides = array<i32>} : memref<128x128xf32, #tpu.memory_space<vmem>>, vector<16xf32>,
          tpu.vector_store %arg10[%swap3A_69, %swap3A_70], %mul3A_68 {strides = array<i32>} : memref<128x128xf32, #tpu.memory_space<vmem>>, vector<16xf32>,
          %get3A_72 = arith.index_cast %add3A_57 : i32 to index
          %get3A_73 = arith.constant 32 : index
          %get3A_74 = tpu.vector_load %arg10[%get3A_72, %get3A_73] {strides = array<i32>} : memref<128x128xf32, #tpu.memory_space<vmem>>, vector<16xf32>,
          %mul3A_75 = arith.mulf %get3A_74, %gather3A : vector<16xf32>
          %swap3A_76 = arith.index_cast %add3A_57 : i32 to index
          %swap3A_77 = arith.constant 32 : index
          %swap3A_78 = tpu.vector_load %arg10[%swap3A_76, %swap3A_77] {strides = array<i32>} : memref<128x128xf32, #tpu.memory_space<vmem>>, vector<16xf32>,
          tpu.vector_store %arg10[%swap3A_76, %swap3A_77], %mul3A_75 {strides = array<i32>} : memref<128x128xf32, #tpu.memory_space<vmem>>, vector<16xf32>,
          %get3A_79 = arith.index_cast %add3A_57 : i32 to index
          %get3A_80 = arith.constant 48 : index
          %get3A_81 = tpu.vector_load %arg10[%get3A_79, %get3A_80] {strides = array<i32>} : memref<128x128xf32, #tpu.memory_space<vmem>>, vector<16xf32>,
          %mul3A_82 = arith.mulf %get3A_81, %gather3A : vector<16xf32>
          %swap3A_83 = arith.index_cast %add3A_57 : i32 to index
          %swap3A_84 = arith.constant 48 : index
          %swap3A_85 = tpu.vector_load %arg10[%swap3A_83, %swap3A_84] {strides = array<i32>} : memref<128x128xf32, #tpu.memory_space<vmem>>, vector<16xf32>,
          tpu.vector_store %arg10[%swap3A_83, %swap3A_84], %mul3A_82 {strides = array<i32>} : memref<128x128xf32, #tpu.memory_space<vmem>>, vector<16xf32>,
          %get3A_86 = arith.index_cast %add3A_57 : i32 to index
          %get3A_87 = arith.constant 64 : index
          %get3A_88 = tpu.vector_load %arg10[%get3A_86, %get3A_87] {strides = array<i32>} : memref<128x128xf32, #tpu.memory_space<vmem>>, vector<16xf32>,
          %mul3A_89 = arith.mulf %get3A_88, %gather3A : vector<16xf32>
          %swap3A_90 = arith.index_cast %add3A_57 : i32 to index
          %swap3A_91 = arith.constant 64 : index
          %swap3A_92 = tpu.vector_load %arg10[%swap3A_90, %swap3A_91] {strides = array<i32>} : memref<128x128xf32, #tpu.memory_space<vmem>>, vector<16xf32>,
          tpu.vector_store %arg10[%swap3A_90, %swap3A_91], %mul3A_89 {strides = array<i32>} : memref<128x128xf32, #tpu.memory_space<vmem>>, vector<16xf32>,
          %get3A_93 = arith.index_cast %add3A_57 : i32 to index
          %get3A_94 = arith.constant 80 : index
          %get3A_95 = tpu.vector_load %arg10[%get3A_93, %get3A_94] {strides = array<i32>} : memref<128x128xf32, #tpu.memory_space<vmem>>, vector<16xf32>,
          %mul3A_96 = arith.mulf %get3A_95, %gather3A : vector<16xf32>
          %swap3A_97 = arith.index_cast %add3A_57 : i32 to index
          %swap3A_98 = arith.constant 80 : index
          %swap3A_99 = tpu.vector_load %arg10[%swap3A_97, %swap3A_98] {strides = array<i32>} : memref<128x128xf32, #tpu.memory_space<vmem>>, vector<16xf32>,
          tpu.vector_store %arg10[%swap3A_97, %swap3A_98], %mul3A_96 {strides = array<i32>} : memref<128x128xf32, #tpu.memory_space<vmem>>, vector<16xf32>,
          %get3A_100 = arith.index_cast %add3A_57 : i32 to index
          %get3A_101 = arith.constant 96 : index
          %get3A_102 = tpu.vector_load %arg10[%get3A_100, %get3A_101] {strides = array<i32>} : memref<128x128xf32, #tpu.memory_space<vmem>>, vector<16xf32>,
          %mul3A_103 = arith.mulf %get3A_102, %gather3A : vector<16xf32>
          %swap3A_104 = arith.index_cast %add3A_57 : i32 to index
          %swap3A_105 = arith.constant 96 : index
          %swap3A_106 = tpu.vector_load %arg10[%swap3A_104, %swap3A_105] {strides = array<i32>} : memref<128x128xf32, #tpu.memory_space<vmem>>, vector<16xf32>,
          tpu.vector_store %arg10[%swap3A_104, %swap3A_105], %mul3A_103 {strides = array<i32>} : memref<128x128xf32, #tpu.memory_space<vmem>>, vector<16xf32>,
          %get3A_107 = arith.index_cast %add3A_57 : i32 to index
          %get3A_108 = arith.constant 112 : index
          %get3A_109 = tpu.vector_load %arg10[%get3A_107, %get3A_108] {strides = array<i32>} : memref<128x128xf32, #tpu.memory_space<vmem>>, vector<16xf32>,
          %mul3A_110 = arith.mulf %get3A_109, %gather3A : vector<16xf32>
          %swap3A_111 = arith.index_cast %add3A_57 : i32 to index
          %swap3A_112 = arith.constant 112 : index
          %swap3A_113 = tpu.vector_load %arg10[%swap3A_111, %swap3A_112] {strides = array<i32>} : memref<128x128xf32, #tpu.memory_space<vmem>>, vector<16xf32>,
          tpu.vector_store %arg10[%swap3A_111, %swap3A_112], %mul3A_110 {strides = array<i32>} : memref<128x128xf32, #tpu.memory_space<vmem>>, vector<16xf32>,
        }
        %scan3A_52 = arith.constant 128 : i32
        "tpu.region"() ({
          %run_scoped3A = tpu.sem_alloc : memref<!tpu.dma_semaphore, #tpu.memory_space<semaphore_mem>>
          %dma_start3A = arith.constant 0 : i32
          %dma_start3A_53 = tpu.memref_slice %arg8[%add3A_47, %dma_start3A] : memref<16x128xi32, #tpu.memory_space<vmem>> -> memref<1x128xi32, #tpu.memory_space<vmem>>
          %dma_start3A_54 = tpu.memref_squeeze %dma_start3A_53 : memref<1x128xi32, #tpu.memory_space<vmem>> -> memref<128xi32, #tpu.memory_space<vmem>>
          %dma_start3A_55 = arith.constant 0 : i32
          %dma_start3A_56 = arith.constant 0 : i32
          %dma_start3A_57 = tpu.memref_slice %arg11[%dma_start3A_55, %dma_start3A_56] : memref<10240x128xf32, #tpu.memory_space<vmem_shared>> -> memref<10240x128xf32, #tpu.memory_space<vmem_shared>>
          tpu.enqueue_indirect_dma source(%arg10 : memref<128x128xf32, #tpu.memory_space<vmem>>) target(%dma_start3A_57 : memref<10240x128xf32, #tpu.memory_space<vmem_shared>>) offsets(%dma_start3A_54 : memref<128xi32, #tpu.memory_space<vmem>>) semaphore(%run_scoped3A : memref<!tpu.dma_semaphore, #tpu.memory_space<semaphore_mem>>) {add = true}
          %dma_wait3A = arith.constant 0 : i32
          %dma_wait3A_58 = tpu.memref_slice %arg8[%add3A_47, %dma_wait3A] : memref<16x128xi32, #tpu.memory_space<vmem>> -> memref<1x128xi32, #tpu.memory_space<vmem>>
          %dma_wait3A_59 = tpu.memref_squeeze %dma_wait3A_58 : memref<1x128xi32, #tpu.memory_space<vmem>> -> memref<128xi32, #tpu.memory_space<vmem>>
          %dma_wait3A_60 = arith.constant 0 : i32
          %dma_wait3A_61 = arith.constant 0 : i32
          %dma_wait3A_62 = tpu.memref_slice %arg11[%dma_wait3A_60, %dma_wait3A_61] : memref<10240x128xf32, #tpu.memory_space<vmem_shared>> -> memref<10240x128xf32, #tpu.memory_space<vmem_shared>>
          tpu.wait_indirect_dma semaphore(%run_scoped3A : memref<!tpu.dma_semaphore, #tpu.memory_space<semaphore_mem>>) src(%arg10 : memref<128x128xf32, #tpu.memory_space<vmem>>) dst(%dma_wait3A_62 : memref<10240x128xf32, #tpu.memory_space<vmem_shared>>)
          tpu.yield
        }) : () -> ()
      }
      %scan3A_42 = arith.constant 16 : i32
    }
    %scan3A_27 = arith.constant 5 : i32
    %barrier3A_28 = arith.constant 0 : index
    tpu.barrier barrier_id(%barrier3A_28)
    %mul3A_29 = arith.constant 640 : i32
    %mul3A_30 = arith.muli %arg1, %mul3A_29 : i32
    %mul3A_31 = arith.constant 640 : i32
    %mul3A_32 = arith.muli %arg1, %mul3A_31 : i32
    "tpu.region"() ({
      %run_scoped3A = tpu.sem_alloc : memref<!tpu.dma_semaphore, #tpu.memory_space<semaphore_mem>>
      %dma_start3A = arith.constant 0 : i32
      %dma_start3A_33 = arith.constant 0 : i32
      %dma_start3A_34 = tpu.memref_slice %arg6[%arg0, %dma_start3A, %dma_start3A_33] : memref<2x10240x128xf32, #tpu.memory_space<hbm>> -> memref<1x10240x128xf32, #tpu.memory_space<hbm>>
      %dma_start3A_35 = tpu.memref_squeeze %dma_start3A_34 : memref<1x10240x128xf32, #tpu.memory_space<hbm>> -> memref<10240x128xf32, #tpu.memory_space<hbm>>
      %dma_start3A_36 = arith.constant 0 : i32
      %dma_start3A_37 = tpu.memref_slice %dma_start3A_35[%mul3A_32, %dma_start3A_36] : memref<10240x128xf32, #tpu.memory_space<hbm>> -> memref<640x128xf32, #tpu.memory_space<hbm>>
      %dma_start3A_38 = arith.constant 0 : i32
      %dma_start3A_39 = tpu.memref_slice %arg11[%mul3A_30, %dma_start3A_38] : memref<10240x128xf32, #tpu.memory_space<vmem_shared>> -> memref<640x128xf32, #tpu.memory_space<vmem_shared>>
      tpu.enqueue_dma source(%dma_start3A_39 : memref<640x128xf32, #tpu.memory_space<vmem_shared>>) target(%dma_start3A_37 : memref<640x128xf32, #tpu.memory_space<hbm>>) target_semaphore(%run_scoped3A : memref<!tpu.dma_semaphore, #tpu.memory_space<semaphore_mem>>)
      %dma_wait3A = arith.constant 0 : i32
      %dma_wait3A_40 = arith.constant 0 : i32
      %dma_wait3A_41 = tpu.memref_slice %arg6[%arg0, %dma_wait3A, %dma_wait3A_40] : memref<2x10240x128xf32, #tpu.memory_space<hbm>> -> memref<1x10240x128xf32, #tpu.memory_space<hbm>>
      %dma_wait3A_42 = tpu.memref_squeeze %dma_wait3A_41 : memref<1x10240x128xf32, #tpu.memory_space<hbm>> -> memref<10240x128xf32, #tpu.memory_space<hbm>>
      %dma_wait3A_43 = arith.constant 0 : i32
      %dma_wait3A_44 = tpu.memref_slice %dma_wait3A_42[%mul3A_32, %dma_wait3A_43] : memref<10240x128xf32, #tpu.memory_space<hbm>> -> memref<640x128xf32, #tpu.memory_space<hbm>>
      %dma_wait3A_45 = arith.constant 0 : i32
      %dma_wait3A_46 = tpu.memref_slice %arg11[%mul3A_30, %dma_wait3A_45] : memref<10240x128xf32, #tpu.memory_space<vmem_shared>> -> memref<640x128xf32, #tpu.memory_space<vmem_shared>>
      tpu.wait_dma2 semaphore(%run_scoped3A : memref<!tpu.dma_semaphore, #tpu.memory_space<semaphore_mem>>) src(%dma_wait3A_46 : memref<640x128xf32, #tpu.memory_space<vmem_shared>>) dst(%dma_wait3A_44 : memref<640x128xf32, #tpu.memory_space<hbm>>)
      tpu.yield
    }) : () -> ()
    return
  }
}

module attributes {stable_mosaic.version = 14 : i64} {
  func.func @_mm1_body(%arg0: i32, %arg1: i32, %arg2: memref<2000x256xf32, #tpu.memory_space<vmem>>, %arg3: memref<256x128xf32, #tpu.memory_space<vmem>>, %arg4: memref<1x2000x128xf32, #tpu.memory_space<vmem>>) attributes {dimension_semantics = [#tpu.dimension_semantics<arbitrary>, #tpu.dimension_semantics<arbitrary>], iteration_bounds = array<i64: 5, 2>, scalar_prefetch = 0 : i64, scratch_operands = 0 : i64, tpu.core_type = #tpu.core_type<tc>, window_params = [{transform_indices = @transform_0, window_bounds = array<i64: 2000, 256>}, {transform_indices = @transform_1, window_bounds = array<i64: 256, 128>}, {transform_indices = @transform_2, window_bounds = array<i64: 1, 2000, 128>}]} {
    %get3A = arith.constant 0 : index
    %get3A_0 = arith.constant 0 : index
    %get3A_1 = vector.load %arg2[%get3A, %get3A_0] : memref<2000x256xf32, #tpu.memory_space<vmem>>, vector<2000x256xf32>
    %get3A_2 = arith.constant 0 : index
    %get3A_3 = arith.constant 0 : index
    %get3A_4 = vector.load %arg3[%get3A_2, %get3A_3] : memref<256x128xf32, #tpu.memory_space<vmem>>, vector<256x128xf32>
    %dot_general3A = arith.constant dense<0.000000e+00> : vector<2000x128xf32>
    %dot_general3A_5 = tpu.matmul %get3A_1, %get3A_4, %dot_general3A {dimension_numbers = #tpu.dot_dimension_numbers<[1], [0], [0], [1], [0, 0, 1, 1], [], []>, transpose_lhs_hint = false} : vector<2000x256xf32>, vector<256x128xf32>, vector<2000x128xf32> -> vector<2000x128xf32>
    %swap3A = arith.constant 0 : index
    %swap3A_6 = arith.constant 0 : index
    %swap3A_7 = arith.constant 0 : index
    %swap3A_8 = vector.load %arg4[%swap3A, %swap3A_6, %swap3A_7] : memref<1x2000x128xf32, #tpu.memory_space<vmem>>, vector<1x2000x128xf32>
    %swap3A_9 = vector.shape_cast %swap3A_8 : vector<1x2000x128xf32> to vector<2000x128xf32>
    %swap3A_10 = vector.shape_cast %dot_general3A_5 : vector<2000x128xf32> to vector<1x2000x128xf32>
    tpu.vector_store %arg4[%swap3A, %swap3A_6, %swap3A_7], %swap3A_10 {strides = array<i32>} : memref<1x2000x128xf32, #tpu.memory_space<vmem>>, vector<1x2000x128xf32>,
    return
  }
  func.func @transform_0(%arg0: i32, %arg1: i32) -> (i32, i32) {
    %c0_i32 = arith.constant 0 : i32
    %c0_i32_0 = arith.constant 0 : i32
    return %arg0, %c0_i32 : i32, i32
  }
  func.func @transform_1(%arg0: i32, %arg1: i32) -> (i32, i32) {
    %c0_i32 = arith.constant 0 : i32
    %c0_i32_0 = arith.constant 0 : i32
    return %c0_i32, %arg1 : i32, i32
  }
  func.func @transform_2(%arg0: i32, %arg1: i32) -> (i32, i32, i32) {
    %c0_i32 = arith.constant 0 : i32
    %c0_i32_0 = arith.constant 0 : i32
    return %arg1, %arg0, %c0_i32 : i32, i32, i32
  }
}

module attributes {stable_mosaic.version = 14 : i64} {
  func.func @_mm2_body(%arg0: i32, %arg1: i32, %arg2: i32, %arg3: memref<1x2048x128xf32, #tpu.memory_space<vmem>>, %arg4: memref<128x128xf32, #tpu.memory_space<vmem>>, %arg5: memref<1x2048x128xf32, #tpu.memory_space<vmem>>) attributes {dimension_semantics = [#tpu.dimension_semantics<arbitrary>, #tpu.dimension_semantics<arbitrary>, #tpu.dimension_semantics<arbitrary>], iteration_bounds = array<i64: 5, 2, 2>, scalar_prefetch = 0 : i64, scratch_operands = 0 : i64, tpu.core_type = #tpu.core_type<tc>, window_params = [{transform_indices = @transform_0, window_bounds = array<i64: 1, 2048, 128>}, {transform_indices = @transform_1, window_bounds = array<i64: 128, 128>}, {transform_indices = @transform_2, window_bounds = array<i64: 1, 2048, 128>}]} {
    %get3A = arith.constant 0 : index
    %get3A_0 = arith.constant 0 : index
    %get3A_1 = arith.constant 0 : index
    %get3A_2 = vector.load %arg3[%get3A, %get3A_0, %get3A_1] : memref<1x2048x128xf32, #tpu.memory_space<vmem>>, vector<1x2048x128xf32>
    %get3A_3 = vector.shape_cast %get3A_2 : vector<1x2048x128xf32> to vector<2048x128xf32>
    %max3A = arith.constant 0.000000e+00 : f32
    %max3A_4 = vector.broadcast %max3A : f32 to vector<2048x128xf32>
    %max3A_5 = arith.maximumf %get3A_3, %max3A_4 : vector<2048x128xf32>
    %get3A_6 = arith.constant 0 : index
    %get3A_7 = arith.constant 0 : index
    %get3A_8 = vector.load %arg4[%get3A_6, %get3A_7] : memref<128x128xf32, #tpu.memory_space<vmem>>, vector<128x128xf32>
    %dot_general3A = arith.constant dense<0.000000e+00> : vector<2048x128xf32>
    %dot_general3A_9 = tpu.matmul %max3A_5, %get3A_8, %dot_general3A {dimension_numbers = #tpu.dot_dimension_numbers<[1], [0], [0], [1], [0, 0, 1, 1], [], []>, transpose_lhs_hint = false} : vector<2048x128xf32>, vector<128x128xf32>, vector<2048x128xf32> -> vector<2048x128xf32>
    %eq3A = arith.constant 0 : i32
    %eq3A_10 = arith.cmpi eq, %arg2, %eq3A : i32
    %convert_element_type3A = arith.extui %eq3A_10 : i1 to i32
    %cond3A = arith.constant 0 : i32
    %cond3A_11 = arith.cmpi ne, %convert_element_type3A, %cond3A : i32
    scf.if %cond3A_11 {
      %swap3A = arith.constant 0 : index
      %swap3A_17 = arith.constant 0 : index
      %swap3A_18 = arith.constant 0 : index
      %swap3A_19 = vector.load %arg5[%swap3A, %swap3A_17, %swap3A_18] : memref<1x2048x128xf32, #tpu.memory_space<vmem>>, vector<1x2048x128xf32>
      %swap3A_20 = vector.shape_cast %swap3A_19 : vector<1x2048x128xf32> to vector<2048x128xf32>
      %swap3A_21 = vector.shape_cast %dot_general3A_9 : vector<2048x128xf32> to vector<1x2048x128xf32>
      tpu.vector_store %arg5[%swap3A, %swap3A_17, %swap3A_18], %swap3A_21 {strides = array<i32>} : memref<1x2048x128xf32, #tpu.memory_space<vmem>>, vector<1x2048x128xf32>,
    } else {
    }
    %eq3A_12 = arith.constant 1 : i32
    %eq3A_13 = arith.cmpi eq, %arg2, %eq3A_12 : i32
    %convert_element_type3A_14 = arith.extui %eq3A_13 : i1 to i32
    %cond3A_15 = arith.constant 0 : i32
    %cond3A_16 = arith.cmpi ne, %convert_element_type3A_14, %cond3A_15 : i32
    scf.if %cond3A_16 {
      %get3A_17 = arith.constant 0 : index
      %get3A_18 = arith.constant 0 : index
      %get3A_19 = arith.constant 0 : index
      %get3A_20 = vector.load %arg5[%get3A_17, %get3A_18, %get3A_19] : memref<1x2048x128xf32, #tpu.memory_space<vmem>>, vector<1x2048x128xf32>
      %get3A_21 = vector.shape_cast %get3A_20 : vector<1x2048x128xf32> to vector<2048x128xf32>
      %add3A = arith.addf %get3A_21, %dot_general3A_9 : vector<2048x128xf32>
      %swap3A = arith.constant 0 : index
      %swap3A_22 = arith.constant 0 : index
      %swap3A_23 = arith.constant 0 : index
      %swap3A_24 = vector.load %arg5[%swap3A, %swap3A_22, %swap3A_23] : memref<1x2048x128xf32, #tpu.memory_space<vmem>>, vector<1x2048x128xf32>
      %swap3A_25 = vector.shape_cast %swap3A_24 : vector<1x2048x128xf32> to vector<2048x128xf32>
      %swap3A_26 = vector.shape_cast %add3A : vector<2048x128xf32> to vector<1x2048x128xf32>
      tpu.vector_store %arg5[%swap3A, %swap3A_22, %swap3A_23], %swap3A_26 {strides = array<i32>} : memref<1x2048x128xf32, #tpu.memory_space<vmem>>, vector<1x2048x128xf32>,
    } else {
    }
    return
  }
  func.func @transform_0(%arg0: i32, %arg1: i32, %arg2: i32) -> (i32, i32, i32) {
    %c0_i32 = arith.constant 0 : i32
    %c0_i32_0 = arith.constant 0 : i32
    return %arg2, %arg0, %c0_i32 : i32, i32, i32
  }
  func.func @transform_1(%arg0: i32, %arg1: i32, %arg2: i32) -> (i32, i32) {
    %c0_i32 = arith.constant 0 : i32
    return %arg2, %arg1 : i32, i32
  }
  func.func @transform_2(%arg0: i32, %arg1: i32, %arg2: i32) -> (i32, i32, i32) {
    %c0_i32 = arith.constant 0 : i32
    %c0_i32_0 = arith.constant 0 : i32
    return %arg1, %arg0, %c0_i32 : i32, i32, i32
  }
}

</mosaic_0001>

<sc_bundles>
// kernel: kernel.6.cloned.1.call-start
scs
__scs_entry_jumppad:
0x0: {  	(pc) =	sbr.rel $0x88, $3  }
0x1: {  	(tag) =	ssettag $0x0;
	lr =	simm.s32 $0x1  }
0x2: {  	[smem:$0x3F9C] =	sst lr;
	_ =	strace $0xD0000000  }
0x3: {  	_ = 	snop  }
0x4: {  	_ = 	snop  }
0x5: {  	_ = 	snop  }
0x6: {  	_ = 	snop  }
0x7: {  	_ = 	snop  }
__scs_overlays_trampoline_lowered:
0x8: {  	[smem:$0x3FAB] =	sst s0  }
0x9: {  	[smem:$0x3FAC] =	sst s1  }
0xa: {  	[smem:$0x3FAD] =	sst s2  }
0xb: {  	[smem:$0x3FAE] =	sst s3  }
0xc: {  	[smem:$0x3FAF] =	sst s4  }
0xd: {  	[smem:$0x3FB0] =	sst s5  }
0xe: {  	[smem:$0x3FB1] =	sst s6  }
0xf: {  	[smem:$0x3FB2] =	sst s7  }
0x10: {  	[smem:$0x3FB3] =	sst s8  }
0x11: {  	[smem:$0x3FB4] =	sst s9;
	s0 =	simm.s32 @!p0 $0x0  }
0x12: {  	s1 =	sld [smem:$0x3F9A];
	s0 =	simm.s32 @p0 $0x1  }
0x13: {  	[smem:$0x3FB5] =	sst s0;
	s0 =	simm.s32 @!p1 $0x0  }
0x14: {  	s2 =	sld [smem:$0x3F99];
	s0 =	simm.s32 @p1 $0x1  }
0x15: {  	[smem:$0x3FB6] =	sst s0;
	s0 =	simm.s32 @!p2 $0x0  }
0x16: {  	s3 =	sld [smem:$0x3FDB];
	s0 =	simm.s32 @p2 $0x1  }
0x17: {  	s4 =	simm.s32 $0x1BF5;
	[smem:$0x3FB8] =	sst s0  }
0x18: {  	s0 =	sld [smem:$0x3F9B];
	_ =	swait.ge [sflag:s4], $0x0  }
0x19: {  	s7 =	sld [smem:$0x3F9C]  }
0x1a: {  	s8 =	sadd.s32 $0xFFFFE003, lr  }
0x1b: {  	s9 =	sadd.s32 $0xFFFFFEF7, lr;
	s5 =	simm.s32 $0xFFFFFFFF;
	p2 =	slt.u32 s8, $0xFFFFF086  }
0x1c: {  	p1 =	slt.u32 s9, $0xF7A;
	s5 =	simm.s32 @!p2 $0x0  }
0x1d: {  	s5 =	simm.s32 @p1 $0x1;
	p0 =	seq.s32 s7, s2  }
0x1e: {  	s7 =	smul.u32 @!p0 $0xF7A, s2;
	p2 =	seq.s32 @!p0 s5, $0x0  }
0x1f: {  	s9 =	smul.u32 $0xF7A, s1;
	s8 =	simm.s32 @!p0 $0x1BF5;
	p2 =	por !p2, p0  }
0x20: {  	[sflag:s8] =	ssyncset.s32 @!p0 $0xFFFFF086;
	s6 =	sadd.s32 @!p0 s3, s7;
	s7 =	simm.s32 @!p0 $0x108  }
0x21: {  	s3 =	sadd.s32 s3, s9;
	s6 =	sadd.s32 @!p0 $0x88, s6;
	s7 =	simm.s32 @p2 $0x1082  }
0x22: {  	[simem:s7], [sflag:s8] =	dma.local @!p0 [hbm:s6], $0xF7A  }
0x23: {  	s9 =	sor.u32 $0xD0000000, s2;
	s6 =	simm.s32 $0x108;
	_ =	swait.ge @!p0 [sflag:s8], $0x0  }
0x24: {  	s3 =	sadd.s32 $0x88, s3;
	s6 =	simm.s32 @!p1 $0x1082;
	[sflag:s4] =	ssyncset.s32 $0xFFFFF086  }
0x25: {  	[simem:s6], [sflag:s4] =	dma.local [hbm:s3], $0xF7A  }
0x26: {  	[smem:$0x3F9C] =	sst s1;
	(tag) =	ssettag s2;
	_ =	strace s9  }
0x27: {  	s1 =	sld [smem:$0x3FAC]  }
0x28: {  	s2 =	sld [smem:$0x3FAD]  }
0x29: {  	s4 =	sld [smem:$0x3FAF]  }
0x2a: {  	p0 =	seq.s32 s5, $0x0;
	s5 =	sld [smem:$0x3FB0]  }
0x2b: {  	s6 =	sld [smem:$0x3FB1]  }
0x2c: {  	s7 =	sld [smem:$0x3FB2]  }
0x2d: {  	s3 =	simm.s32 $0x108;
	s8 =	sld [smem:$0x3FB3]  }
0x2e: {  	s3 =	simm.s32 @!p0 $0x1082;
	s9 =	sld [smem:$0x3FB4]  }
0x2f: {  	lr =	sadd.s32 s0, s3;
	s0 =	sld [smem:$0x3FAB]  }
0x30: {  	s3 =	sld [smem:$0x3FAE]  }
0x31: {  	[smem:$0x3FB7] =	sst s10  }
0x32: {  	s10 =	sld [smem:$0x3FB5];
	_ =	sdelay $0x3  }
0x33: {  	p0 =	seq.s32 s10, $0x1;
	s10 =	sld [smem:$0x3FB7];
	_ =	sdelay $0x3  }
0x34: {  	[smem:$0x3FB7] =	sst s10  }
0x35: {  	s10 =	sld [smem:$0x3FB6];
	_ =	sdelay $0x3  }
0x36: {  	p1 =	seq.s32 s10, $0x1;
	s10 =	sld [smem:$0x3FB7];
	_ =	sdelay $0x3  }
0x37: {  	[smem:$0x3FB7] =	sst s10  }
0x38: {  	s10 =	sld [smem:$0x3FB8]  }
0x39: {  	_ = 	snop;
	(pc) =	sbr.ind lr, $3  }
0x3a: {  	_ = 	snop  }
0x3b: {  	_ = 	snop  }
0x3c: {  	p2 =	seq.s32 s10, $0x1;
	s10 =	sld [smem:$0x3FB7]  }
0x3d: {  	_ =	shalt  }
0x3e: {  	_ =	shalt  }
0x3f: {  	_ =	shalt  }
0x40: {  	_ =	shalt  }
0x41: {  	_ =	shalt  }
0x42: {  	_ =	shalt  }
0x43: {  	_ =	shalt  }
0x44: {  	_ =	shalt  }
0x45: {  	_ =	shalt  }
0x46: {  	_ =	shalt  }
0x47: {  	_ =	shalt  }
0x48: {  	_ =	shalt  }
0x49: {  	_ =	shalt  }
0x4a: {  	_ =	shalt  }
0x4b: {  	_ =	shalt  }
0x4c: {  	_ =	shalt  }
0x4d: {  	_ =	shalt  }
0x4e: {  	_ =	shalt  }
0x4f: {  	_ =	shalt  }
0x50: {  	_ =	shalt  }
0x51: {  	_ =	shalt  }
0x52: {  	_ =	shalt  }
0x53: {  	_ =	shalt  }
0x54: {  	_ =	shalt  }
0x55: {  	_ =	shalt  }
0x56: {  	_ =	shalt  }
0x57: {  	_ =	shalt  }
0x58: {  	_ =	shalt  }
0x59: {  	_ =	shalt  }
0x5a: {  	_ =	shalt  }
0x5b: {  	_ =	shalt  }
0x5c: {  	_ =	shalt  }
0x5d: {  	_ =	shalt  }
0x5e: {  	_ =	shalt  }
0x5f: {  	_ =	shalt  }
0x60: {  	_ =	shalt  }
0x61: {  	_ =	shalt  }
0x62: {  	_ =	shalt  }
0x63: {  	_ =	shalt  }
0x64: {  	_ =	shalt  }
0x65: {  	_ =	shalt  }
0x66: {  	_ =	shalt  }
0x67: {  	_ =	shalt  }
0x68: {  	_ =	shalt  }
0x69: {  	_ =	shalt  }
0x6a: {  	_ =	shalt  }
0x6b: {  	_ =	shalt  }
0x6c: {  	_ =	shalt  }
0x6d: {  	_ =	shalt  }
0x6e: {  	_ =	shalt  }
0x6f: {  	_ =	shalt  }
0x70: {  	_ =	shalt  }
0x71: {  	_ =	shalt  }
0x72: {  	_ =	shalt  }
0x73: {  	_ =	shalt  }
0x74: {  	_ =	shalt  }
0x75: {  	_ =	shalt  }
0x76: {  	_ =	shalt  }
0x77: {  	_ =	shalt  }
0x78: {  	_ =	shalt  }
0x79: {  	_ =	shalt  }
0x7a: {  	_ =	shalt  }
0x7b: {  	_ =	shalt  }
0x7c: {  	_ =	shalt  }
0x7d: {  	_ =	shalt  }
0x7e: {  	_ =	shalt  }
0x7f: {  	_ =	shalt  }
0x80: {  	_ =	shalt  }
0x81: {  	_ =	shalt  }
0x82: {  	_ =	shalt  }
0x83: {  	_ =	shalt  }
0x84: {  	_ =	shalt  }
0x85: {  	_ =	shalt  }
0x86: {  	_ =	shalt  }
0x87: {  	_ =	shalt  }
.Lfunc_end0:
.L_simem_size_0:
called_computation_lowered:
.L_overlay_start_0:
0x88: {  	s2 =	sld [smem:$0x3FD9]  }
0x89: {  	s3 =	sld [smem:$0x3FFE];
	_ =	sdelay $0x1  }
0x8a: {  	s1 =	srdreg.scid  }
0x8b: {  	s0 =	sand.u32 $0x1, s1  }
0x8c: {  	s17 =	sshll.u32 s0, $0xA;
	s2 =	sadd.s32 s3, s2  }
0x8d: {  	s2 =	sadd.s32 s2, s17  }
0x8e: {  	[smem:$0x3FC3] =	sst s2  }
0x8f: {  	_ = 	snop  }
0x90: {  	s2 =	sld [smem:$0x3FD0];
	(tm) =	ssettm $0x1  }
0x91: {  	s18 =	sld [smem:$0x3FFB];
	_ =	sdelay $0x3  }
0x92: {  	_ =	strace s18  }
0x93: {  	s3 =	sld [smem:$0x3FFC];
	_ =	sdelay $0x3  }
0x94: {  	_ =	strace s3  }
0x95: {  	s3 =	sld [smem:$0x3FFD];
	_ =	sdelay $0x3  }
0x96: {  	_ =	strace s3  }
0x97: {  	_ =	strace $0x8FFFFFFF  }
0x98: {  	s19 =	sld [smem:$0x3FDB];
	_ =	sdelay $0x1  }
0x99: {  	s4 =	simm.s32 $_scs_section_size  }
0x9a: {  	s5 =	simm.s32 $_size__tile_overlayer_lowered;
	s6 =	simm.s32 $_tile_overlayer_lowered  }
0x9b: {  	s22 =	simm.s32 $0x1BFF;
	s21 =	sshll.u32 s6, $0x1;
	s3 =	sadd.s32 s4, s19  }
0x9c: {  	s7 =	simm.s32 $0x0;
	s20 =	sshll.u32 s5, $0x1;
	s5 =	sadd.s32 s21, s3  }
0x9d: {  	[timem:s7], [sflag:s22] =	dma.local [hbm:s5], s20  }
0x9e: {  	_ =	swait.ge [sflag:s22], s20  }
0x9f: {  	s4 =	ssub.s32 $0x0, s20;
	[sflag:s22] =	ssyncset.done $0x0  }
0xa0: {  	[sflag:s22] =	ssyncadd.s32 s4;
	_ =	sdelay $0x1  }
0xa1: {  	s23 =	simm.s32 $0x1B8B  }
0xa2: {  	_ =	swait.ge [sflag:s23], $0x1  }
0xa3: {  	[sflag:s23] =	ssyncset.done $0x0  }
0xa4: {  	s25 =	simm.s32 $0x1B8E;
	s24 =	sld [smem:$0x3FFE];
	[sflag:s23] =	ssyncadd.s32 $0xFFFFFFFF  }
0xa5: {  	s26 =	simm.s32 $execute0_lowered;
	[smem:$0x3FD2] =	sst s25  }
0xa6: {  	s5 =	sshll.u32 s26, $0x1;
	_ =	strace $0x80000046;
	[dreg:$0x1] =	wrdreg $0xFFFFFFFF  }
0xa7: {  	s28 =	simm.s32 $_size_execute0_lowered;
	s3 =	sadd.s32 s3, s5;
	[dreg:$0x0] =	wrdreg $0x0  }
0xa8: {  	s5 =	sshll.u32 s28, $0x1;
	[dreg:$0x2] =	wrdreg s3  }
0xa9: {  	[dreg:$0x3] =	wrdreg s5  }
0xaa: {  	[dreg:$0x4] =	wrdreg $0xC0  }
0xab: {  	_ =	task [dreg:s7], $0x5FFFF  }
0xac: {  	[dreg:$0x1] =	wrdreg $0xFFFFFFFF  }
0xad: {  	[dreg:$0x0] =	wrdreg $0x60  }
0xae: {  	[dreg:$0x2] =	wrdreg s2  }
0xaf: {  	[dreg:$0x3] =	wrdreg s24  }
0xb0: {  	[dreg:$0x4] =	wrdreg $0x58000  }
0xb1: {  	[dreg:$0x5] =	wrdreg $0x9  }
0xb2: {  	_ =	task.clear_ibuf [dreg:s7], $0x6FFFF;
	_ =	strace $0x90000046  }
0xb3: {  	s29 =	simm.s32 $0x9;
	_ =	strace $0x80000048  }
0xb4: {  	_ =	swait.ge [sflag:s29], $0x1  }
0xb5: {  	[sflag:s29] =	ssyncadd.s32 $0xFFFFFFFF  }
0xb6: {  	_ =	strace $0x90000048  }
0xb7: {  	_ =	sfence  }
0xb8: {  	s30 =	sld [smem:$0x0];
	_ =	sdelay $0x2  }
0xb9: {  	s31 =	sshll.u32 s1, $0xD;
	s1 =	sshrl.u32 s1, $0x2  }
0xba: {  	s3 =	sand.u32 $0x4000, s31;
	s1 =	sadd.s32 s1, s30  }
0xbb: {  	s0 =	sor.u32 s3, s0;
	s1 =	sshll.u32 s1, $0x11  }
0xbc: {  	s0 =	sor.u32 s1, s0  }
0xbd: {  	s0 =	sadd.s32 $0x8F2B, s0  }
0xbe: {  	[sflag:s0] =	ssyncadd.remote.s32 $0x1  }
0xbf: {  	_ =	sfence.sel $0xFFFF  }
0xc0: {  	[dreg:$0x0] =	wrdreg $0xFFFFFFFF;
	(pc) =	sbr.abs _section_cstart, $3  }
0xc1: {  	[dreg:$0x1] =	wrdreg $0xFFFFFFFF  }
0xc2: {  	_ =	task.clear_ibuf [dreg:s7], $0x2FFFF;
	_ =	strace $0x9FFFFFFF  }
0xc3: {  	(tm) =	ssettm $0x7FFFFFFF  }
tec
execute0_lowered:
.L_overlay_start_1:
0x0: {  	(tag) =	ssettag $0x1  }
0x1: {  	s12 =	rddreg [dreg:$0x0]  }
0x2: {  	s4 =	rddreg [dreg:$0x1]  }
0x3: {  	s2 =	rddreg [dreg:$0x2]  }
0x4: {  	s0 =	rddreg [dreg:$0x3];
	s1 =	stileid.u32  }
0x5: {  	s3 =	simm.s32 $0x0;
	s6 =	srdreg.scid;
	s5 =	smul.u32 $0x500, s1  }
0x6: {  	s16 =	simm.s32 $0x800;
	s17 =	simm.s32 $0x1000;
	s30 =	smul.u32 $0x50000, s1  }
0x7: {  	[smem:$0x7FF] =	sst s3;
	s7 =	sand.u32 $0x1, s6;
	s20 =	smul.u32 $0x2800, s1  }
0x8: {  	s18 =	simm.s32 $0x80;
	_ =	strace $0x80000047;
	s8 =	smul.u32 $0x28000, s7  }
0x9: {  	s9 =	ssub.s32 $0x2, s7;
	s15 =	smul.u32 $0x27100, s7;
	s11 =	sadd.s32 s5, s4  }
0xa: {  	s31 =	sshrl.u32 s9, $0x1;
	s6 =	sshrl.u32 s30, $0x2;
	s13 =	sadd.s32 s8, s4  }
0xb: {  	s14 =	ssub.s32 s9, s31;
	s4 =	sadd.s32 s6, s2;
	s9 =	sadd.s32 $0x5C00, s11  }
0xc: {  	s10 =	sadd.s32 $0xC00, s11;
	s11 =	sadd.s32 $0xAC00, s11;
	s12 =	sadd.s32 s12, s15  }
0xd: {  	s15 =	simm.s32 $0x1;
	s5 =	sadd.s32 $0x4000, s4;
	s6 =	sadd.s32 $0x8000, s4  }
0xe: {  	s7 =	sadd.s32 $0xC000, s4;
	s8 =	sadd.s32 $0x10000, s4;
	s19 =	sadd.s32 $0xFC00, s13  }
0xf: {  	v0 =	vimm.f32 $0.0e+00;
	s13 =	smax.u32 s14, $0x1;
	s14 =	simm.s32 $0x1800;
	s19 =	sadd.s32 s20, s19  }
.LBB2_1:
0x10: {  	s20 =	simm.s32 $0x0;
	s21 =	simm.s32 $0x200  }
.LBB2_2:
0x11: {  	p0 =	sne.s32 s21, $0xFE00;
	[tilespmem:s20+$0x1870] =	vst v0  }
0x12: {  	[tilespmem:s20+$0x1800] =	vst v0  }
0x13: {  	[tilespmem:s20+$0x1810] =	vst v0  }
.Ltmp0:
0x14: {  	[tilespmem:s20+$0x1820] =	vst v0;
	(pc) =	sbr.rel @p0 .LBB2_2-.Ltmp0, $4  }
0x15: {  	[tilespmem:s20+$0x1830] =	vst v0  }
0x16: {  	[tilespmem:s20+$0x1840] =	vst v0  }
0x17: {  	[tilespmem:s20+$0x1850] =	vst v0  }
0x18: {  	[tilespmem:s20+$0x1860] =	vst v0;
	s20 =	sshra.s32 s21, $0x2;
	s21 =	sadd.s32 $0x200, s21  }
0x19: {  	[tilespmem:s20+$0x1870] =	vst v0  }
0x1a: {  	[tilespmem:s20+$0x1800] =	vst v0  }
0x1b: {  	[tilespmem:s20+$0x1810] =	vst v0  }
0x1c: {  	[tilespmem:s20+$0x1820] =	vst v0  }
0x1d: {  	[tilespmem:s20+$0x1830] =	vst v0  }
0x1e: {  	[tilespmem:s20+$0x1840] =	vst v0  }
0x1f: {  	[tilespmem:s20+$0x1850] =	vst v0  }
0x20: {  	[tilespmem:s20+$0x1860] =	vst v0  }
0x21: {  	[spmem:s4] =	stream.linear.scatter [tilespmem:s14], [sflag:$0x1], $0x4000, $0x38;
	[tilespmem:$0x19800] =	vst v63  }
0x22: {  	_ =	swait.ge [sflag:s15], $0x4000  }
0x23: {  	[sflag:s15] =	ssyncset.done $0x0  }
0x24: {  	[sflag:s15] =	ssyncadd.s32 $0xFFFFC000  }
0x25: {  	[spmem:s5] =	stream.linear.scatter [tilespmem:s14], [sflag:$0x1], $0x4000, $0x38;
	[tilespmem:$0x19800] =	vst v63  }
0x26: {  	_ =	swait.ge [sflag:s15], $0x4000  }
0x27: {  	[sflag:s15] =	ssyncset.done $0x0  }
0x28: {  	[sflag:s15] =	ssyncadd.s32 $0xFFFFC000  }
0x29: {  	[spmem:s6] =	stream.linear.scatter [tilespmem:s14], [sflag:$0x1], $0x4000, $0x38;
	[tilespmem:$0x19800] =	vst v63  }
0x2a: {  	_ =	swait.ge [sflag:s15], $0x4000  }
0x2b: {  	[sflag:s15] =	ssyncset.done $0x0  }
0x2c: {  	[sflag:s15] =	ssyncadd.s32 $0xFFFFC000  }
0x2d: {  	[spmem:s7] =	stream.linear.scatter [tilespmem:s14], [sflag:$0x1], $0x4000, $0x38;
	[tilespmem:$0x19800] =	vst v63  }
0x2e: {  	_ =	swait.ge [sflag:s15], $0x4000  }
0x2f: {  	[sflag:s15] =	ssyncset.done $0x0  }
0x30: {  	[sflag:s15] =	ssyncadd.s32 $0xFFFFC000  }
0x31: {  	[spmem:s8] =	stream.linear.scatter [tilespmem:s14], [sflag:$0x1], $0x4000, $0x38;
	[tilespmem:$0x19800] =	vst v63  }
0x32: {  	_ =	swait.ge [sflag:s15], $0x4000  }
0x33: {  	[sflag:s15] =	ssyncset.done $0x0  }
0x34: {  	[sflag:s15] =	ssyncadd.s32 $0xFFFFC000  }
0x35: {  	s20 =	simm.s32 $0x0;
	s21 =	simm.s32 $0x0;
	[bflag:$0x0] =	sbarrier.arrive $0xFFFF  }
.LBB2_4:
0x36: {  	s22 =	sshll.u32 s21, $0x8  }
0x37: {  	s23 =	sadd.s32 s22, s9  }
0x38: {  	[tilespmem:s20], [sflag:$0x1] =	stream.linear.gather [hbm4b:s23+s20], $0x800, $0x38;
	[tilespmem:$0x19800] =	vst v63  }
0x39: {  	_ =	swait.ge [sflag:s15], $0x800  }
0x3a: {  	[sflag:s15] =	ssyncset.done $0x0  }
0x3b: {  	s31 =	sadd.s32 s22, s10;
	[sflag:s15] =	ssyncadd.s32 $0xFFFFF800  }
0x3c: {  	[tilespmem:s16], [sflag:$0x1] =	stream.linear.gather [hbm4b:s31+s20], $0x800, $0x38;
	[tilespmem:$0x19800] =	vst v63  }
0x3d: {  	_ =	swait.ge [sflag:s15], $0x800  }
0x3e: {  	[sflag:s15] =	ssyncset.done $0x0  }
0x3f: {  	s22 =	sadd.s32 s22, s11;
	[sflag:s15] =	ssyncadd.s32 $0xFFFFF800  }
0x40: {  	[tilespmem:s17], [sflag:$0x1] =	stream.linear.gather [hbm4b:s22+s20], $0x800, $0x38;
	[tilespmem:$0x19800] =	vst v63  }
0x41: {  	_ =	swait.ge [sflag:s15], $0x800  }
0x42: {  	[sflag:s15] =	ssyncset.done $0x0  }
0x43: {  	s22 =	simm.s32 $0x0;
	[sflag:s15] =	ssyncadd.s32 $0xFFFFF800  }
.LBB2_5:
0x44: {  	s24 =	simm.s32 $0x0  }
0x45: {  	s23 =	sshll.u32 s22, $0x7;
	v2 =	vmov s24  }
0x46: {  	v1 =	vmov s23;
	v2 =	vand.u32 $0x7F, v2  }
0x47: {  	[tilespmem:s14], [sflag:$0x1] =	stream.indirect.gather [hbm4b:s12+s18], $0x80, s23, s18, $0xb8;
	v2 =	vadd.s32 v1, v2;
	[tilespmem:$0x19800] =	vst v63  }
0x48: {  	_ =	swait.ge [sflag:s15], $0x4000;
	v2 =	vbroadcast v2, $0x0  }
0x49: {  	[sflag:s15] =	ssyncset.done $0x0  }
0x4a: {  	s24 =	simm.s32 $0x1840;
	[sflag:s15] =	ssyncadd.s32 $0xFFFFC000  }
0x4b: {  	v6 =	vld [tilespmem:s24+$0x30]  }
0x4c: {  	v9 =	vld [tilespmem:s24+$0x10]  }
0x4d: {  	v7 =	vld [tilespmem:s24+$0xFFFFFFC0]  }
0x4e: {  	v3 =	vld.idx.msk [tilespmem:v2+s17+$0x0], $0xffff  }
0x4f: {  	v12 =	vld [tilespmem:s24+$0xFFFFFFE0]  }
0x50: {  	v4 =	vld [tilespmem:s24+$0x20]  }
0x51: {  	v5 =	vld [tilespmem:s24+$0xFFFFFFD0]  }
0x52: {  	v2 =	vld [tilespmem:s24+$0xFFFFFFF0]  }
0x53: {  	v10 =	vmul.f32 v6, v3;
	v6 =	vld [tilespmem:s24+$0x0]  }
0x54: {  	s25 =	simm.s32 $0x1;
	v8 =	vmul.f32 v7, v3  }
0x55: {  	s26 =	simm.s32 $0x2;
	v11 =	vmov s25;
	s25 =	simm.s32 $0x1840;
	v7 =	vmul.f32 v12, v3;
	v9 =	vmul.f32 v9, v3  }
.LBB2_6:
0x56: {  	p0 =	sne.s32 s26, $0x7F  }
0x57: {  	v11 =	vand.u32 $0x7F, v11;
	v5 =	vmul.f32 v5, v3;
	v4 =	vmul.f32 v4, v3;
	[tilespmem:s24+$0x30] =	vst v10;
	s25 =	sadd.s32 $0x80, s25;
	s28 =	smov.u32 s26;
	s26 =	sadd.s32 $0x1, s26  }
0x58: {  	v10 =	vadd.s32 v1, v11;
	[tilespmem:s24+$0xFFFFFFC0] =	vst v8;
	v8 =	vmul.f32 v2, v3;
	v3 =	vmul.f32 v6, v3  }
0x59: {  	v6 =	vbroadcast v10, $0x0;
	[tilespmem:s24+$0x10] =	vst v9  }
0x5a: {  	[tilespmem:s24+$0xFFFFFFE0] =	vst v7  }
0x5b: {  	v2 =	vld [tilespmem:s25+$0xFFFFFFF0];
	[tilespmem:s24+$0xFFFFFFF0] =	vst v8  }
0x5c: {  	v7 =	vld [tilespmem:s25+$0x30];
	[tilespmem:s24+$0x0] =	vst v3  }
0x5d: {  	v9 =	vld [tilespmem:s25+$0x10];
	[tilespmem:s24+$0x20] =	vst v4  }
0x5e: {  	v8 =	vld [tilespmem:s25+$0xFFFFFFC0];
	[tilespmem:s24+$0xFFFFFFD0] =	vst v5;
	s24 =	smov.u32 s25  }
0x5f: {  	v3 =	vld.idx.msk [tilespmem:v6+s17+$0x0], $0xffff  }
0x60: {  	v12 =	vld [tilespmem:s25+$0xFFFFFFE0]  }
0x61: {  	v4 =	vld [tilespmem:s25+$0x20]  }
.Ltmp1:
0x62: {  	v5 =	vld [tilespmem:s25+$0xFFFFFFD0];
	(pc) =	sbr.rel @p0 .LBB2_6-.Ltmp1, $3  }
0x63: {  	v6 =	vld [tilespmem:s25+$0x0];
	_ =	sdelay $0x1  }
0x64: {  	v8 =	vmul.f32 v8, v3;
	v10 =	vmul.f32 v7, v3  }
0x65: {  	v11 =	vmov s28;
	v9 =	vmul.f32 v9, v3;
	v7 =	vmul.f32 v12, v3  }
0x66: {  	[tilespmem:s24+$0x30] =	vst v10;
	v58 =	vand.u32 $0x7F, v11  }
0x67: {  	[tilespmem:s24+$0xFFFFFFC0] =	vst v8;
	v1 =	vadd.s32 v1, v58  }
0x68: {  	v2 =	vmul.f32 v2, v3;
	[tilespmem:s24+$0x10] =	vst v9;
	v1 =	vbroadcast v1, $0x0  }
0x69: {  	s25 =	sadd.s32 $0x80, s25;
	[tilespmem:s24+$0xFFFFFFE0] =	vst v7;
	v6 =	vmul.f32 v6, v3  }
0x6a: {  	v4 =	vmul.f32 v4, v3;
	v3 =	vmul.f32 v5, v3;
	v7 =	vld [tilespmem:s25+$0xFFFFFFF0];
	[tilespmem:s24+$0xFFFFFFF0] =	vst v2  }
0x6b: {  	v2 =	vld [tilespmem:s25+$0x30];
	[tilespmem:s24+$0x0] =	vst v6  }
0x6c: {  	v60 =	vld [tilespmem:s25+$0xFFFFFFC0];
	[tilespmem:s24+$0xFFFFFFD0] =	vst v3  }
0x6d: {  	v59 =	vld [tilespmem:s25+$0x10];
	[tilespmem:s24+$0x20] =	vst v4  }
0x6e: {  	v1 =	vld.idx.msk [tilespmem:v1+s17+$0x0], $0xffff;
	_ =	sdelay $0x2  }
0x6f: {  	v6 =	vld [tilespmem:s25+$0x0]  }
0x70: {  	v3 =	vld [tilespmem:s25+$0xFFFFFFE0]  }
0x71: {  	v2 =	vmul.f32 v2, v1  }
0x72: {  	v61 =	vld [tilespmem:s25+$0x20];
	v4 =	vmul.f32 v60, v1  }
0x73: {  	v62 =	vld [tilespmem:s25+$0xFFFFFFD0];
	v5 =	vmul.f32 v59, v1;
	[tilespmem:s25+$0x30] =	vst v2  }
0x74: {  	v63 =	vmul.f32 v6, v1;
	[tilespmem:s25+$0xFFFFFFC0] =	vst v4  }
0x75: {  	v2 =	vmul.f32 v3, v1;
	[tilespmem:s25+$0x10] =	vst v5  }
0x76: {  	v3 =	vmul.f32 v7, v1;
	[tilespmem:s25+$0x0] =	vst v63  }
0x77: {  	[tilespmem:s25+$0xFFFFFFE0] =	vst v2;
	v2 =	vmul.f32 v61, v1  }
0x78: {  	s22 =	sadd.s32 $0x1, s22;
	[tilespmem:s25+$0xFFFFFFF0] =	vst v3;
	v1 =	vmul.f32 v62, v1  }
0x79: {  	p0 =	sne.s32 s22, $0x10;
	[tilespmem:s25+$0x20] =	vst v2  }
.Ltmp2:
0x7a: {  	s23 =	sadd.s32 $0x800, s23;
	[tilespmem:s25+$0xFFFFFFD0] =	vst v1;
	(pc) =	sbr.rel @p0 .LBB2_5-.Ltmp2, $4  }
0x7b: {  	[spmem:s2] =	stream.indirect.scatter.add.f32 [tilespmem:s14], [sflag:$0x1], $0x80, s23, s18, $0xb8;
	[tilespmem:$0x19800] =	vst v63  }
0x7c: {  	_ =	swait.ge [sflag:s15], $0x4000  }
0x7d: {  	[sflag:s15] =	ssyncset.done $0x0  }
0x7e: {  	[sflag:s15] =	ssyncadd.s32 $0xFFFFC000  }
0x7f: {  	s21 =	sadd.s32 $0x1, s21  }
0x80: {  	p0 =	sne.s32 s21, $0x5  }
.Ltmp3:
0x81: {  	_ = 	snop;
	(pc) =	sbr.rel @p0 .LBB2_4-.Ltmp3, $1  }
0x82: {  	_ =	sdelay $0x3  }
0x83: {  	s3 =	sadd.s32 $0x1, s3  }
0x84: {  	s20 =	sshll.u32 s1, $0x6;
	[bflag:$0x0] =	sbarrier.arrive $0xFFFF;
	p0 =	sne.s32 s3, s13  }
.Ltmp4:
0x85: {  	s21 =	sshrl.u32 s4, $0x3;
	s20 =	sor.u32 $0x1C01, s20;
	(pc) =	sbr.rel @p0 .LBB2_1-.Ltmp4, $4  }
0x86: {  	[hbm:s19], [sflag:s20] =	dma.local [spmem:s21], $0x2800  }
0x87: {  	_ =	swait.ge [sflag:s15], $0x2800  }
0x88: {  	[sflag:s15] =	ssyncset.done $0x0  }
0x89: {  	[sflag:s15] =	ssyncadd.s32 $0xFFFFD800  }
0x8a: {  	_ =	sfence.sel $0x180000  }
0x8b: {  	[bflag:$0x0] =	sbarrier.arrive $0xFFFF  }
0x8c: {  	p0 =	sne.s32 s1, $0x0;
	_ =	strace $0x90000047  }
0x8d: {  	s0 =	sadd.s32 @!p0 $0x100000, s0;
	[bflag:$0x2] =	sbarrier.arrive $0xFFFF  }
0x8e: {  	[sflag:s0] =	ssyncadd.tile.s32 @!p0 $0x1;
	_ =	shalt  }
.Lfunc_end2:
_tile_overlayer_lowered:
.L_overlay_start_2:
0x8f: {  	(tag) =	ssettag $0x2  }
0x90: {  	s0 =	rddreg [dreg:$0x0];
	s2 =	stileid.u32  }
0x91: {  	s1 =	rddreg [dreg:$0x1];
	p0 =	sne.s32 s2, $0x0  }
0x92: {  	s3 =	rddreg [dreg:$0x2];
	[bflag:$0x3] =	sbarrier.arrive $0xFFFF;
	s2 =	simm.s32 @!p0 $0x1C01  }
0x93: {  	[timem:s3], [sflag:s2] =	dma.local @!p0 [hbm:s0], s1  }
0x94: {  	s0 =	simm.s32 @!p0 $0x1  }
0x95: {  	_ =	swait.ge @!p0 [sflag:s0], s1  }
0x96: {  	s1 =	ssub.s32 @!p0 $0x0, s1;
	[sflag:s0] =	ssyncset.done @!p0 $0x0  }
0x97: {  	[sflag:s0] =	ssyncadd.s32 @!p0 s1  }
0x98: {  	[bflag:$0x3] =	sbarrier.arrive $0xFFFF  }
0x99: {  	_ =	shalt  }

// kernel: kernel.9.cloned.1.call-start
scs
__scs_entry_jumppad:
0x0: {  	(pc) =	sbr.rel $0x88, $3  }
0x1: {  	(tag) =	ssettag $0x0;
	lr =	simm.s32 $0x1  }
0x2: {  	[smem:$0x3F9C] =	sst lr;
	_ =	strace $0xD0000000  }
0x3: {  	_ = 	snop  }
0x4: {  	_ = 	snop  }
0x5: {  	_ = 	snop  }
0x6: {  	_ = 	snop  }
0x7: {  	_ = 	snop  }
__scs_overlays_trampoline_lowered:
0x8: {  	[smem:$0x3FAB] =	sst s0  }
0x9: {  	[smem:$0x3FAC] =	sst s1  }
0xa: {  	[smem:$0x3FAD] =	sst s2  }
0xb: {  	[smem:$0x3FAE] =	sst s3  }
0xc: {  	[smem:$0x3FAF] =	sst s4  }
0xd: {  	[smem:$0x3FB0] =	sst s5  }
0xe: {  	[smem:$0x3FB1] =	sst s6  }
0xf: {  	[smem:$0x3FB2] =	sst s7  }
0x10: {  	[smem:$0x3FB3] =	sst s8  }
0x11: {  	[smem:$0x3FB4] =	sst s9;
	s0 =	simm.s32 @!p0 $0x0  }
0x12: {  	s1 =	sld [smem:$0x3F9A];
	s0 =	simm.s32 @p0 $0x1  }
0x13: {  	[smem:$0x3FB5] =	sst s0;
	s0 =	simm.s32 @!p1 $0x0  }
0x14: {  	s2 =	sld [smem:$0x3F99];
	s0 =	simm.s32 @p1 $0x1  }
0x15: {  	[smem:$0x3FB6] =	sst s0;
	s0 =	simm.s32 @!p2 $0x0  }
0x16: {  	s3 =	sld [smem:$0x3FDB];
	s0 =	simm.s32 @p2 $0x1  }
0x17: {  	s4 =	simm.s32 $0x1BF5;
	[smem:$0x3FB8] =	sst s0  }
0x18: {  	s0 =	sld [smem:$0x3F9B];
	_ =	swait.ge [sflag:s4], $0x0  }
0x19: {  	s7 =	sld [smem:$0x3F9C]  }
0x1a: {  	s8 =	sadd.s32 $0xFFFFE003, lr  }
0x1b: {  	s9 =	sadd.s32 $0xFFFFFEF7, lr;
	s5 =	simm.s32 $0xFFFFFFFF;
	p2 =	slt.u32 s8, $0xFFFFF086  }
0x1c: {  	p1 =	slt.u32 s9, $0xF7A;
	s5 =	simm.s32 @!p2 $0x0  }
0x1d: {  	s5 =	simm.s32 @p1 $0x1;
	p0 =	seq.s32 s7, s2  }
0x1e: {  	s7 =	smul.u32 @!p0 $0xF7A, s2;
	p2 =	seq.s32 @!p0 s5, $0x0  }
0x1f: {  	s9 =	smul.u32 $0xF7A, s1;
	s8 =	simm.s32 @!p0 $0x1BF5;
	p2 =	por !p2, p0  }
0x20: {  	[sflag:s8] =	ssyncset.s32 @!p0 $0xFFFFF086;
	s6 =	sadd.s32 @!p0 s3, s7;
	s7 =	simm.s32 @!p0 $0x108  }
0x21: {  	s3 =	sadd.s32 s3, s9;
	s6 =	sadd.s32 @!p0 $0x88, s6;
	s7 =	simm.s32 @p2 $0x1082  }
0x22: {  	[simem:s7], [sflag:s8] =	dma.local @!p0 [hbm:s6], $0xF7A  }
0x23: {  	s9 =	sor.u32 $0xD0000000, s2;
	s6 =	simm.s32 $0x108;
	_ =	swait.ge @!p0 [sflag:s8], $0x0  }
0x24: {  	s3 =	sadd.s32 $0x88, s3;
	s6 =	simm.s32 @!p1 $0x1082;
	[sflag:s4] =	ssyncset.s32 $0xFFFFF086  }
0x25: {  	[simem:s6], [sflag:s4] =	dma.local [hbm:s3], $0xF7A  }
0x26: {  	[smem:$0x3F9C] =	sst s1;
	(tag) =	ssettag s2;
	_ =	strace s9  }
0x27: {  	s1 =	sld [smem:$0x3FAC]  }
0x28: {  	s2 =	sld [smem:$0x3FAD]  }
0x29: {  	s4 =	sld [smem:$0x3FAF]  }
0x2a: {  	p0 =	seq.s32 s5, $0x0;
	s5 =	sld [smem:$0x3FB0]  }
0x2b: {  	s6 =	sld [smem:$0x3FB1]  }
0x2c: {  	s7 =	sld [smem:$0x3FB2]  }
0x2d: {  	s3 =	simm.s32 $0x108;
	s8 =	sld [smem:$0x3FB3]  }
0x2e: {  	s3 =	simm.s32 @!p0 $0x1082;
	s9 =	sld [smem:$0x3FB4]  }
0x2f: {  	lr =	sadd.s32 s0, s3;
	s0 =	sld [smem:$0x3FAB]  }
0x30: {  	s3 =	sld [smem:$0x3FAE]  }
0x31: {  	[smem:$0x3FB7] =	sst s10  }
0x32: {  	s10 =	sld [smem:$0x3FB5];
	_ =	sdelay $0x3  }
0x33: {  	p0 =	seq.s32 s10, $0x1;
	s10 =	sld [smem:$0x3FB7];
	_ =	sdelay $0x3  }
0x34: {  	[smem:$0x3FB7] =	sst s10  }
0x35: {  	s10 =	sld [smem:$0x3FB6];
	_ =	sdelay $0x3  }
0x36: {  	p1 =	seq.s32 s10, $0x1;
	s10 =	sld [smem:$0x3FB7];
	_ =	sdelay $0x3  }
0x37: {  	[smem:$0x3FB7] =	sst s10  }
0x38: {  	s10 =	sld [smem:$0x3FB8]  }
0x39: {  	_ = 	snop;
	(pc) =	sbr.ind lr, $3  }
0x3a: {  	_ = 	snop  }
0x3b: {  	_ = 	snop  }
0x3c: {  	p2 =	seq.s32 s10, $0x1;
	s10 =	sld [smem:$0x3FB7]  }
0x3d: {  	_ =	shalt  }
0x3e: {  	_ =	shalt  }
0x3f: {  	_ =	shalt  }
0x40: {  	_ =	shalt  }
0x41: {  	_ =	shalt  }
0x42: {  	_ =	shalt  }
0x43: {  	_ =	shalt  }
0x44: {  	_ =	shalt  }
0x45: {  	_ =	shalt  }
0x46: {  	_ =	shalt  }
0x47: {  	_ =	shalt  }
0x48: {  	_ =	shalt  }
0x49: {  	_ =	shalt  }
0x4a: {  	_ =	shalt  }
0x4b: {  	_ =	shalt  }
0x4c: {  	_ =	shalt  }
0x4d: {  	_ =	shalt  }
0x4e: {  	_ =	shalt  }
0x4f: {  	_ =	shalt  }
0x50: {  	_ =	shalt  }
0x51: {  	_ =	shalt  }
0x52: {  	_ =	shalt  }
0x53: {  	_ =	shalt  }
0x54: {  	_ =	shalt  }
0x55: {  	_ =	shalt  }
0x56: {  	_ =	shalt  }
0x57: {  	_ =	shalt  }
0x58: {  	_ =	shalt  }
0x59: {  	_ =	shalt  }
0x5a: {  	_ =	shalt  }
0x5b: {  	_ =	shalt  }
0x5c: {  	_ =	shalt  }
0x5d: {  	_ =	shalt  }
0x5e: {  	_ =	shalt  }
0x5f: {  	_ =	shalt  }
0x60: {  	_ =	shalt  }
0x61: {  	_ =	shalt  }
0x62: {  	_ =	shalt  }
0x63: {  	_ =	shalt  }
0x64: {  	_ =	shalt  }
0x65: {  	_ =	shalt  }
0x66: {  	_ =	shalt  }
0x67: {  	_ =	shalt  }
0x68: {  	_ =	shalt  }
0x69: {  	_ =	shalt  }
0x6a: {  	_ =	shalt  }
0x6b: {  	_ =	shalt  }
0x6c: {  	_ =	shalt  }
0x6d: {  	_ =	shalt  }
0x6e: {  	_ =	shalt  }
0x6f: {  	_ =	shalt  }
0x70: {  	_ =	shalt  }
0x71: {  	_ =	shalt  }
0x72: {  	_ =	shalt  }
0x73: {  	_ =	shalt  }
0x74: {  	_ =	shalt  }
0x75: {  	_ =	shalt  }
0x76: {  	_ =	shalt  }
0x77: {  	_ =	shalt  }
0x78: {  	_ =	shalt  }
0x79: {  	_ =	shalt  }
0x7a: {  	_ =	shalt  }
0x7b: {  	_ =	shalt  }
0x7c: {  	_ =	shalt  }
0x7d: {  	_ =	shalt  }
0x7e: {  	_ =	shalt  }
0x7f: {  	_ =	shalt  }
0x80: {  	_ =	shalt  }
0x81: {  	_ =	shalt  }
0x82: {  	_ =	shalt  }
0x83: {  	_ =	shalt  }
0x84: {  	_ =	shalt  }
0x85: {  	_ =	shalt  }
0x86: {  	_ =	shalt  }
0x87: {  	_ =	shalt  }
.Lfunc_end0:
.L_simem_size_0:
called_computation.1_lowered:
.L_overlay_start_0:
0x88: {  	s2 =	sld [smem:$0x3FD9]  }
0x89: {  	s3 =	sld [smem:$0x3FFE];
	_ =	sdelay $0x1  }
0x8a: {  	s1 =	srdreg.scid  }
0x8b: {  	s0 =	sand.u32 $0x1, s1  }
0x8c: {  	s16 =	sshll.u32 s0, $0xA;
	s2 =	sadd.s32 s3, s2  }
0x8d: {  	s2 =	sadd.s32 s2, s16  }
0x8e: {  	[smem:$0x3FC3] =	sst s2  }
0x8f: {  	_ = 	snop  }
0x90: {  	(tm) =	ssettm $0x1  }
0x91: {  	s17 =	sld [smem:$0x3FFB];
	_ =	sdelay $0x3  }
0x92: {  	_ =	strace s17  }
0x93: {  	s2 =	sld [smem:$0x3FFC];
	_ =	sdelay $0x3  }
0x94: {  	_ =	strace s2  }
0x95: {  	s2 =	sld [smem:$0x3FFD];
	_ =	sdelay $0x3  }
0x96: {  	_ =	strace s2  }
0x97: {  	_ =	strace $0x8FFFFFFF  }
0x98: {  	s18 =	sld [smem:$0x3FDB];
	_ =	sdelay $0x1  }
0x99: {  	s19 =	simm.s32 $_scs_section_size  }
0x9a: {  	s4 =	simm.s32 $_size__tile_overlayer_lowered;
	s5 =	simm.s32 $_tile_overlayer_lowered  }
0x9b: {  	s22 =	simm.s32 $0x1BFF;
	s21 =	sshll.u32 s5, $0x1;
	s2 =	sadd.s32 s19, s18  }
0x9c: {  	s6 =	simm.s32 $0x0;
	s20 =	sshll.u32 s4, $0x1;
	s4 =	sadd.s32 s21, s2  }
0x9d: {  	[timem:s6], [sflag:s22] =	dma.local [hbm:s4], s20  }
0x9e: {  	_ =	swait.ge [sflag:s22], s20  }
0x9f: {  	s3 =	ssub.s32 $0x0, s20;
	[sflag:s22] =	ssyncset.done $0x0  }
0xa0: {  	[sflag:s22] =	ssyncadd.s32 s3;
	_ =	sdelay $0x1  }
0xa1: {  	s23 =	simm.s32 $0x1B8B  }
0xa2: {  	_ =	swait.ge [sflag:s23], $0x1  }
0xa3: {  	[sflag:s23] =	ssyncset.done $0x0  }
0xa4: {  	s25 =	simm.s32 $0x1B8E;
	s24 =	sld [smem:$0x3FFE];
	[sflag:s23] =	ssyncadd.s32 $0xFFFFFFFF  }
0xa5: {  	s26 =	simm.s32 $execute0_lowered;
	[smem:$0x3FD2] =	sst s25  }
0xa6: {  	s4 =	sshll.u32 s26, $0x1;
	_ =	strace $0x80000049;
	[dreg:$0x1] =	wrdreg $0xFFFFFFFF  }
0xa7: {  	s28 =	simm.s32 $_size_execute0_lowered;
	s2 =	sadd.s32 s2, s4;
	[dreg:$0x0] =	wrdreg $0x0  }
0xa8: {  	s4 =	sshll.u32 s28, $0x1;
	[dreg:$0x2] =	wrdreg s2  }
0xa9: {  	[dreg:$0x3] =	wrdreg s4  }
0xaa: {  	[dreg:$0x4] =	wrdreg $0xC0  }
0xab: {  	_ =	task [dreg:s6], $0x5FFFF  }
0xac: {  	[dreg:$0x1] =	wrdreg $0xFFFFFFFF  }
0xad: {  	[dreg:$0x0] =	wrdreg $0x60  }
0xae: {  	[dreg:$0x2] =	wrdreg s24  }
0xaf: {  	[dreg:$0x3] =	wrdreg $0x58000  }
0xb0: {  	[dreg:$0x4] =	wrdreg $0x9  }
0xb1: {  	_ =	task.clear_ibuf [dreg:s6], $0x5FFFF;
	_ =	strace $0x90000049  }
0xb2: {  	s29 =	simm.s32 $0x9;
	_ =	strace $0x8000004B  }
0xb3: {  	_ =	swait.ge [sflag:s29], $0x1  }
0xb4: {  	[sflag:s29] =	ssyncadd.s32 $0xFFFFFFFF  }
0xb5: {  	_ =	strace $0x9000004B  }
0xb6: {  	_ =	sfence  }
0xb7: {  	s30 =	sld [smem:$0x0];
	_ =	sdelay $0x2  }
0xb8: {  	s31 =	sshll.u32 s1, $0xD;
	s1 =	sshrl.u32 s1, $0x2  }
0xb9: {  	s3 =	sand.u32 $0x4000, s31;
	s1 =	sadd.s32 s1, s30  }
0xba: {  	s0 =	sor.u32 s3, s0;
	s1 =	sshll.u32 s1, $0x11  }
0xbb: {  	s0 =	sor.u32 s1, s0  }
0xbc: {  	s0 =	sadd.s32 $0x8F2B, s0  }
0xbd: {  	[sflag:s0] =	ssyncadd.remote.s32 $0x1  }
0xbe: {  	_ =	sfence.sel $0xFFFF  }
0xbf: {  	[dreg:$0x0] =	wrdreg $0xFFFFFFFF;
	(pc) =	sbr.abs _section_cstart, $3  }
0xc0: {  	[dreg:$0x1] =	wrdreg $0xFFFFFFFF  }
0xc1: {  	_ =	task.clear_ibuf [dreg:s6], $0x2FFFF;
	_ =	strace $0x9FFFFFFF  }
0xc2: {  	(tm) =	ssettm $0x7FFFFFFF  }
0xc3: {  	_ =	shalt  }
tec
execute0_lowered:
.L_overlay_start_1:
0x0: {  	(tag) =	ssettag $0x1  }
0x1: {  	s4 =	rddreg [dreg:$0x0]  }
0x2: {  	s2 =	rddreg [dreg:$0x1]  }
0x3: {  	s0 =	rddreg [dreg:$0x2]  }
0x4: {  	s1 =	stileid.u32;
	s3 =	simm.s32 $0x0;
	s6 =	srdreg.scid  }
0x5: {  	s15 =	simm.s32 $0x1;
	s16 =	simm.s32 $0x800;
	s5 =	smul.u32 $0x500, s1  }
0x6: {  	s17 =	simm.s32 $0x1000;
	s18 =	simm.s32 $0x80;
	s7 =	smul.u32 $0x50000, s1  }
0x7: {  	[smem:$0x7FF] =	sst s3;
	s6 =	sand.u32 $0x1, s6;
	s20 =	smul.u32 $0x2800, s1  }
0x8: {  	_ =	strace $0x8000004A;
	s8 =	smul.u32 $0x28000, s6;
	s29 =	ssub.s32 $0x2, s6  }
0x9: {  	s11 =	sadd.s32 s5, s4;
	s30 =	sshrl.u32 s7, $0x2;
	s31 =	sshrl.u32 s29, $0x1  }
0xa: {  	s13 =	sadd.s32 s8, s4;
	s4 =	sadd.s32 s30, s2;
	s14 =	ssub.s32 s29, s31  }
0xb: {  	s9 =	sadd.s32 $0x5C00, s11;
	s10 =	sadd.s32 $0xC00, s11;
	s11 =	sadd.s32 $0xAC00, s11  }
0xc: {  	s5 =	sadd.s32 $0x4000, s4;
	s6 =	sadd.s32 $0x8000, s4;
	s7 =	sadd.s32 $0xC000, s4  }
0xd: {  	s8 =	sadd.s32 $0x10000, s4;
	s12 =	sadd.s32 $0xFC00, s13;
	s19 =	sadd.s32 $0x5FC00, s13  }
0xe: {  	v0 =	vimm.f32 $0.0e+00;
	s13 =	smax.u32 s14, $0x1;
	s14 =	simm.s32 $0x1800;
	s19 =	sadd.s32 s20, s19  }
.LBB2_1:
0xf: {  	s20 =	simm.s32 $0x0;
	s21 =	simm.s32 $0x200  }
.LBB2_2:
0x10: {  	p0 =	sne.s32 s21, $0xFE00;
	[tilespmem:s20+$0x1870] =	vst v0  }
0x11: {  	[tilespmem:s20+$0x1800] =	vst v0  }
0x12: {  	[tilespmem:s20+$0x1810] =	vst v0  }
.Ltmp0:
0x13: {  	[tilespmem:s20+$0x1820] =	vst v0;
	(pc) =	sbr.rel @p0 .LBB2_2-.Ltmp0, $4  }
0x14: {  	[tilespmem:s20+$0x1830] =	vst v0  }
0x15: {  	[tilespmem:s20+$0x1840] =	vst v0  }
0x16: {  	[tilespmem:s20+$0x1850] =	vst v0  }
0x17: {  	[tilespmem:s20+$0x1860] =	vst v0;
	s20 =	sshra.s32 s21, $0x2;
	s21 =	sadd.s32 $0x200, s21  }
0x18: {  	[tilespmem:s20+$0x1870] =	vst v0  }
0x19: {  	[tilespmem:s20+$0x1800] =	vst v0  }
0x1a: {  	[tilespmem:s20+$0x1810] =	vst v0  }
0x1b: {  	[tilespmem:s20+$0x1820] =	vst v0  }
0x1c: {  	[tilespmem:s20+$0x1830] =	vst v0  }
0x1d: {  	[tilespmem:s20+$0x1840] =	vst v0  }
0x1e: {  	[tilespmem:s20+$0x1850] =	vst v0  }
0x1f: {  	[tilespmem:s20+$0x1860] =	vst v0  }
0x20: {  	[spmem:s4] =	stream.linear.scatter [tilespmem:s14], [sflag:$0x1], $0x4000, $0x38;
	[tilespmem:$0x19800] =	vst v63  }
0x21: {  	_ =	swait.ge [sflag:s15], $0x4000  }
0x22: {  	[sflag:s15] =	ssyncset.done $0x0  }
0x23: {  	[sflag:s15] =	ssyncadd.s32 $0xFFFFC000  }
0x24: {  	[spmem:s5] =	stream.linear.scatter [tilespmem:s14], [sflag:$0x1], $0x4000, $0x38;
	[tilespmem:$0x19800] =	vst v63  }
0x25: {  	_ =	swait.ge [sflag:s15], $0x4000  }
0x26: {  	[sflag:s15] =	ssyncset.done $0x0  }
0x27: {  	[sflag:s15] =	ssyncadd.s32 $0xFFFFC000  }
0x28: {  	[spmem:s6] =	stream.linear.scatter [tilespmem:s14], [sflag:$0x1], $0x4000, $0x38;
	[tilespmem:$0x19800] =	vst v63  }
0x29: {  	_ =	swait.ge [sflag:s15], $0x4000  }
0x2a: {  	[sflag:s15] =	ssyncset.done $0x0  }
0x2b: {  	[sflag:s15] =	ssyncadd.s32 $0xFFFFC000  }
0x2c: {  	[spmem:s7] =	stream.linear.scatter [tilespmem:s14], [sflag:$0x1], $0x4000, $0x38;
	[tilespmem:$0x19800] =	vst v63  }
0x2d: {  	_ =	swait.ge [sflag:s15], $0x4000  }
0x2e: {  	[sflag:s15] =	ssyncset.done $0x0  }
0x2f: {  	[sflag:s15] =	ssyncadd.s32 $0xFFFFC000  }
0x30: {  	[spmem:s8] =	stream.linear.scatter [tilespmem:s14], [sflag:$0x1], $0x4000, $0x38;
	[tilespmem:$0x19800] =	vst v63  }
0x31: {  	_ =	swait.ge [sflag:s15], $0x4000  }
0x32: {  	[sflag:s15] =	ssyncset.done $0x0  }
0x33: {  	[sflag:s15] =	ssyncadd.s32 $0xFFFFC000  }
0x34: {  	s20 =	simm.s32 $0x0;
	s21 =	simm.s32 $0x0;
	[bflag:$0x0] =	sbarrier.arrive $0xFFFF  }
.LBB2_4:
0x35: {  	s22 =	sshll.u32 s21, $0x8  }
0x36: {  	s23 =	sadd.s32 s22, s9  }
0x37: {  	[tilespmem:s20], [sflag:$0x1] =	stream.linear.gather [hbm4b:s23+s20], $0x800, $0x38;
	[tilespmem:$0x19800] =	vst v63  }
0x38: {  	_ =	swait.ge [sflag:s15], $0x800  }
0x39: {  	[sflag:s15] =	ssyncset.done $0x0  }
0x3a: {  	s31 =	sadd.s32 s22, s10;
	[sflag:s15] =	ssyncadd.s32 $0xFFFFF800  }
0x3b: {  	[tilespmem:s16], [sflag:$0x1] =	stream.linear.gather [hbm4b:s31+s20], $0x800, $0x38;
	[tilespmem:$0x19800] =	vst v63  }
0x3c: {  	_ =	swait.ge [sflag:s15], $0x800  }
0x3d: {  	[sflag:s15] =	ssyncset.done $0x0  }
0x3e: {  	s22 =	sadd.s32 s22, s11;
	[sflag:s15] =	ssyncadd.s32 $0xFFFFF800  }
0x3f: {  	[tilespmem:s17], [sflag:$0x1] =	stream.linear.gather [hbm4b:s22+s20], $0x800, $0x38;
	[tilespmem:$0x19800] =	vst v63  }
0x40: {  	_ =	swait.ge [sflag:s15], $0x800  }
0x41: {  	[sflag:s15] =	ssyncset.done $0x0  }
0x42: {  	s22 =	simm.s32 $0x0;
	[sflag:s15] =	ssyncadd.s32 $0xFFFFF800  }
.LBB2_5:
0x43: {  	s24 =	simm.s32 $0x0  }
0x44: {  	s23 =	sshll.u32 s22, $0x7;
	v2 =	vmov s24  }
0x45: {  	v1 =	vmov s23;
	v2 =	vand.u32 $0x7F, v2  }
0x46: {  	[tilespmem:s14], [sflag:$0x1] =	stream.indirect.gather [hbm4b:s12+s18], $0x80, s23, s18, $0xb8;
	v2 =	vadd.s32 v1, v2;
	[tilespmem:$0x19800] =	vst v63  }
0x47: {  	_ =	swait.ge [sflag:s15], $0x4000;
	v2 =	vbroadcast v2, $0x0  }
0x48: {  	[sflag:s15] =	ssyncset.done $0x0  }
0x49: {  	s24 =	simm.s32 $0x1840;
	[sflag:s15] =	ssyncadd.s32 $0xFFFFC000  }
0x4a: {  	v6 =	vld [tilespmem:s24+$0x30]  }
0x4b: {  	v9 =	vld [tilespmem:s24+$0x10]  }
0x4c: {  	v7 =	vld [tilespmem:s24+$0xFFFFFFC0]  }
0x4d: {  	v3 =	vld.idx.msk [tilespmem:v2+s17+$0x0], $0xffff  }
0x4e: {  	v12 =	vld [tilespmem:s24+$0xFFFFFFE0]  }
0x4f: {  	v4 =	vld [tilespmem:s24+$0x20]  }
0x50: {  	v5 =	vld [tilespmem:s24+$0xFFFFFFD0]  }
0x51: {  	v2 =	vld [tilespmem:s24+$0xFFFFFFF0]  }
0x52: {  	v10 =	vmul.f32 v6, v3;
	v6 =	vld [tilespmem:s24+$0x0]  }
0x53: {  	s25 =	simm.s32 $0x1;
	v8 =	vmul.f32 v7, v3  }
0x54: {  	s26 =	simm.s32 $0x2;
	v11 =	vmov s25;
	s25 =	simm.s32 $0x1840;
	v7 =	vmul.f32 v12, v3;
	v9 =	vmul.f32 v9, v3  }
.LBB2_6:
0x55: {  	p0 =	sne.s32 s26, $0x7F  }
0x56: {  	v11 =	vand.u32 $0x7F, v11;
	v5 =	vmul.f32 v5, v3;
	v4 =	vmul.f32 v4, v3;
	[tilespmem:s24+$0x30] =	vst v10;
	s25 =	sadd.s32 $0x80, s25;
	s28 =	smov.u32 s26;
	s26 =	sadd.s32 $0x1, s26  }
0x57: {  	v10 =	vadd.s32 v1, v11;
	[tilespmem:s24+$0xFFFFFFC0] =	vst v8;
	v8 =	vmul.f32 v2, v3;
	v3 =	vmul.f32 v6, v3  }
0x58: {  	v6 =	vbroadcast v10, $0x0;
	[tilespmem:s24+$0x10] =	vst v9  }
0x59: {  	[tilespmem:s24+$0xFFFFFFE0] =	vst v7  }
0x5a: {  	v2 =	vld [tilespmem:s25+$0xFFFFFFF0];
	[tilespmem:s24+$0xFFFFFFF0] =	vst v8  }
0x5b: {  	v7 =	vld [tilespmem:s25+$0x30];
	[tilespmem:s24+$0x0] =	vst v3  }
0x5c: {  	v9 =	vld [tilespmem:s25+$0x10];
	[tilespmem:s24+$0x20] =	vst v4  }
0x5d: {  	v8 =	vld [tilespmem:s25+$0xFFFFFFC0];
	[tilespmem:s24+$0xFFFFFFD0] =	vst v5;
	s24 =	smov.u32 s25  }
0x5e: {  	v3 =	vld.idx.msk [tilespmem:v6+s17+$0x0], $0xffff  }
0x5f: {  	v12 =	vld [tilespmem:s25+$0xFFFFFFE0]  }
0x60: {  	v4 =	vld [tilespmem:s25+$0x20]  }
.Ltmp1:
0x61: {  	v5 =	vld [tilespmem:s25+$0xFFFFFFD0];
	(pc) =	sbr.rel @p0 .LBB2_6-.Ltmp1, $3  }
0x62: {  	v6 =	vld [tilespmem:s25+$0x0];
	_ =	sdelay $0x1  }
0x63: {  	v8 =	vmul.f32 v8, v3;
	v10 =	vmul.f32 v7, v3  }
0x64: {  	v11 =	vmov s28;
	v9 =	vmul.f32 v9, v3;
	v7 =	vmul.f32 v12, v3  }
0x65: {  	[tilespmem:s24+$0x30] =	vst v10;
	v58 =	vand.u32 $0x7F, v11  }
0x66: {  	[tilespmem:s24+$0xFFFFFFC0] =	vst v8;
	v1 =	vadd.s32 v1, v58  }
0x67: {  	v2 =	vmul.f32 v2, v3;
	[tilespmem:s24+$0x10] =	vst v9;
	v1 =	vbroadcast v1, $0x0  }
0x68: {  	s25 =	sadd.s32 $0x80, s25;
	[tilespmem:s24+$0xFFFFFFE0] =	vst v7;
	v6 =	vmul.f32 v6, v3  }
0x69: {  	v4 =	vmul.f32 v4, v3;
	v3 =	vmul.f32 v5, v3;
	v7 =	vld [tilespmem:s25+$0xFFFFFFF0];
	[tilespmem:s24+$0xFFFFFFF0] =	vst v2  }
0x6a: {  	v2 =	vld [tilespmem:s25+$0x30];
	[tilespmem:s24+$0x0] =	vst v6  }
0x6b: {  	v60 =	vld [tilespmem:s25+$0xFFFFFFC0];
	[tilespmem:s24+$0xFFFFFFD0] =	vst v3  }
0x6c: {  	v59 =	vld [tilespmem:s25+$0x10];
	[tilespmem:s24+$0x20] =	vst v4  }
0x6d: {  	v1 =	vld.idx.msk [tilespmem:v1+s17+$0x0], $0xffff;
	_ =	sdelay $0x2  }
0x6e: {  	v6 =	vld [tilespmem:s25+$0x0]  }
0x6f: {  	v3 =	vld [tilespmem:s25+$0xFFFFFFE0]  }
0x70: {  	v2 =	vmul.f32 v2, v1  }
0x71: {  	v61 =	vld [tilespmem:s25+$0x20];
	v4 =	vmul.f32 v60, v1  }
0x72: {  	v62 =	vld [tilespmem:s25+$0xFFFFFFD0];
	v5 =	vmul.f32 v59, v1;
	[tilespmem:s25+$0x30] =	vst v2  }
0x73: {  	v63 =	vmul.f32 v6, v1;
	[tilespmem:s25+$0xFFFFFFC0] =	vst v4  }
0x74: {  	v2 =	vmul.f32 v3, v1;
	[tilespmem:s25+$0x10] =	vst v5  }
0x75: {  	v3 =	vmul.f32 v7, v1;
	[tilespmem:s25+$0x0] =	vst v63  }
0x76: {  	[tilespmem:s25+$0xFFFFFFE0] =	vst v2;
	v2 =	vmul.f32 v61, v1  }
0x77: {  	s22 =	sadd.s32 $0x1, s22;
	[tilespmem:s25+$0xFFFFFFF0] =	vst v3;
	v1 =	vmul.f32 v62, v1  }
0x78: {  	p0 =	sne.s32 s22, $0x10;
	[tilespmem:s25+$0x20] =	vst v2  }
.Ltmp2:
0x79: {  	s23 =	sadd.s32 $0x800, s23;
	[tilespmem:s25+$0xFFFFFFD0] =	vst v1;
	(pc) =	sbr.rel @p0 .LBB2_5-.Ltmp2, $4  }
0x7a: {  	[spmem:s2] =	stream.indirect.scatter.add.f32 [tilespmem:s14], [sflag:$0x1], $0x80, s23, s18, $0xb8;
	[tilespmem:$0x19800] =	vst v63  }
0x7b: {  	_ =	swait.ge [sflag:s15], $0x4000  }
0x7c: {  	[sflag:s15] =	ssyncset.done $0x0  }
0x7d: {  	[sflag:s15] =	ssyncadd.s32 $0xFFFFC000  }
0x7e: {  	s21 =	sadd.s32 $0x1, s21  }
0x7f: {  	p0 =	sne.s32 s21, $0x5  }
.Ltmp3:
0x80: {  	_ = 	snop;
	(pc) =	sbr.rel @p0 .LBB2_4-.Ltmp3, $1  }
0x81: {  	_ =	sdelay $0x3  }
0x82: {  	s3 =	sadd.s32 $0x1, s3  }
0x83: {  	s20 =	sshll.u32 s1, $0x6;
	[bflag:$0x0] =	sbarrier.arrive $0xFFFF;
	p0 =	sne.s32 s3, s13  }
.Ltmp4:
0x84: {  	s21 =	sshrl.u32 s4, $0x3;
	s20 =	sor.u32 $0x1C01, s20;
	(pc) =	sbr.rel @p0 .LBB2_1-.Ltmp4, $4  }
0x85: {  	[hbm:s19], [sflag:s20] =	dma.local [spmem:s21], $0x2800  }
0x86: {  	_ =	swait.ge [sflag:s15], $0x2800  }
0x87: {  	[sflag:s15] =	ssyncset.done $0x0  }
0x88: {  	[sflag:s15] =	ssyncadd.s32 $0xFFFFD800  }
0x89: {  	_ =	sfence.sel $0x180000  }
0x8a: {  	[bflag:$0x0] =	sbarrier.arrive $0xFFFF  }
0x8b: {  	p0 =	sne.s32 s1, $0x0;
	_ =	strace $0x9000004A  }
0x8c: {  	s0 =	sadd.s32 @!p0 $0x100000, s0;
	[bflag:$0x2] =	sbarrier.arrive $0xFFFF  }
0x8d: {  	[sflag:s0] =	ssyncadd.tile.s32 @!p0 $0x1;
	_ =	shalt  }
.Lfunc_end2:
_tile_overlayer_lowered:
.L_overlay_start_2:
0x8e: {  	(tag) =	ssettag $0x2  }
0x8f: {  	s0 =	rddreg [dreg:$0x0];
	s2 =	stileid.u32  }
0x90: {  	s1 =	rddreg [dreg:$0x1];
	p0 =	sne.s32 s2, $0x0  }
0x91: {  	s3 =	rddreg [dreg:$0x2];
	[bflag:$0x3] =	sbarrier.arrive $0xFFFF;
	s2 =	simm.s32 @!p0 $0x1C01  }
0x92: {  	[timem:s3], [sflag:s2] =	dma.local @!p0 [hbm:s0], s1  }
0x93: {  	s0 =	simm.s32 @!p0 $0x1  }
0x94: {  	_ =	swait.ge @!p0 [sflag:s0], s1  }
0x95: {  	s1 =	ssub.s32 @!p0 $0x0, s1;
	[sflag:s0] =	ssyncset.done @!p0 $0x0  }
0x96: {  	[sflag:s0] =	ssyncadd.s32 @!p0 s1  }
0x97: {  	[bflag:$0x3] =	sbarrier.arrive $0xFFFF  }
0x98: {  	_ =	shalt  }

</sc_bundles>
